<compile_context>
chip_gen: v7x
topology: tpu7x:2x2x1
jax: 0.10.2.dev20260603
libtpu: 0.0.44.dev20260713+nightly
codegen_flags: <defaults>
</compile_context>

<pallas_src>
import functools

import jax
import jax.numpy as jnp
from jax import lax
from jax.experimental import pallas as pl
from jax.experimental.pallas import tpu as pltpu
from jax.experimental.pallas import tpu_sc as plsc

N = 10000
NP = 10240
E = 320000
EP = 327680
D = 128
H = 64

NW = 32
CHUNK = 128
NCH = EP // NW // CHUNK


@functools.cache
def _mesh():
    return plsc.VectorSubcoreMesh(core_axis_name="c", subcore_axis_name="s")


@functools.cache
def _make_agg(C: int):

    @functools.partial(
        pl.kernel,
        mesh=_mesh(),
        out_type=jax.ShapeDtypeStruct((2, NP, C), jnp.float32),
        scratch_types=[
            pltpu.VMEM((NCH, CHUNK), jnp.int32),
            pltpu.VMEM((NCH, CHUNK), jnp.int32),
            pltpu.VMEM((CHUNK, C), jnp.float32),
            pltpu.VMEM((CHUNK,), jnp.int32),
            pltpu.VMEM_SHARED((NP, C), jnp.float32),
        ],
    )
    def agg(x_hbm, src_hbm, dst_hbm, zeros_hbm, out_hbm,
            sidx, didx, rows, dcur, acc):
        c = lax.axis_index("c")
        s = lax.axis_index("s")
        w = c * 16 + s
        pltpu.sync_copy(src_hbm.at[w], sidx)
        pltpu.sync_copy(dst_hbm.at[w], didx)

        @pl.when(s == 0)
        def _():
            pltpu.sync_copy(zeros_hbm, acc)

        plsc.subcore_barrier()

        def body(i, carry):
            pltpu.sync_copy(x_hbm.at[sidx.at[i]], rows)
            for j in range(CHUNK // 16):
                dcur[pl.ds(j * 16, 16)] = didx[i, pl.ds(j * 16, 16)]
            pltpu.sync_copy(rows, acc.at[dcur], add=True)
            return carry

        lax.fori_loop(0, NCH, body, 0)
        plsc.subcore_barrier()

        @pl.when(s == 0)
        def _():
            pltpu.sync_copy(acc, out_hbm.at[c])

    return agg


@functools.cache
def _make_cnt():

    @functools.partial(
        pl.kernel,
        mesh=_mesh(),
        out_type=jax.ShapeDtypeStruct((2, NP, 128), jnp.float32),
        scratch_types=[
            pltpu.VMEM((NCH, CHUNK), jnp.int32),
            pltpu.VMEM((CHUNK, 128), jnp.float32),
            pltpu.VMEM((CHUNK,), jnp.int32),
            pltpu.VMEM_SHARED((NP, 128), jnp.float32),
        ],
    )
    def cnt(ones_hbm, idx_hbm, zeros_hbm, out_hbm, idx, rows, dcur, acc):
        c = lax.axis_index("c")
        s = lax.axis_index("s")
        w = c * 16 + s
        pltpu.sync_copy(idx_hbm.at[w], idx)
        pltpu.sync_copy(ones_hbm, rows)

        @pl.when(s == 0)
        def _():
            pltpu.sync_copy(zeros_hbm, acc)

        plsc.subcore_barrier()

        def body(i, carry):
            for j in range(CHUNK // 16):
                dcur[pl.ds(j * 16, 16)] = idx[i, pl.ds(j * 16, 16)]
            pltpu.sync_copy(rows, acc.at[dcur], add=True)
            return carry

        lax.fori_loop(0, NCH, body, 0)
        plsc.subcore_barrier()

        @pl.when(s == 0)
        def _():
            pltpu.sync_copy(acc, out_hbm.at[c])

    return cnt



_RB = 512


def _nrm(pa, pb):
    deg = pa[:, 0:1] + pb[:, 0:1]
    return lax.rsqrt(jnp.maximum(deg, 1.0))


def _tc0_body(x, doa, dob, o):
    o[...] = x[...] * _nrm(doa, dob)


def _tc1_body(aa, ab, dia, dib, doa, dob, w, b, o):
    agg = aa[...] + ab[...]
    z = jnp.dot(agg, w[...], preferred_element_type=jnp.float32)
    z = z * _nrm(dia, dib) + b[...]
    z = jnp.maximum(z, 0.0)
    o[...] = z * _nrm(doa, dob)


def _tc3_body(aa, ab, dia, dib, w3, b, o):
    agg = aa[...] + ab[...]
    z = jnp.dot(agg, w3[...], preferred_element_type=jnp.float32)
    o[...] = z * _nrm(dia, dib) + b[...]


def _row_spec(cols):
    return pl.BlockSpec((_RB, cols), lambda i: (i, 0))


def _full_spec(shape):
    return pl.BlockSpec(shape, lambda i: tuple(0 for _ in shape))


def _tc_call(body, in_specs, out_cols, args):
    return pl.pallas_call(
        body,
        grid=(NP // _RB,),
        in_specs=in_specs,
        out_specs=_row_spec(out_cols),
        out_shape=jax.ShapeDtypeStruct((NP, out_cols), jnp.float32),
    )(*args)


def kernel(x, edge_index, W1, b1, W2, b2, W3, b3):
    pad = jnp.full((EP - E,), N, jnp.int32)
    src = jnp.concatenate([edge_index[0], pad]).reshape(NW, NCH, CHUNK)
    dst = jnp.concatenate([edge_index[1], pad]).reshape(NW, NCH, CHUNK)
    xp = jnp.pad(x, ((0, NP - N), (0, 0)))
    zeros128 = jnp.zeros((NP, 128), jnp.float32)
    b1r = b1.reshape(1, 2 * H)
    b2r = b2.reshape(1, 2 * H)
    b3r = b3.reshape(1, H)

    ones_chunk = jnp.ones((CHUNK, 128), jnp.float32)
    di_parts = _make_cnt()(ones_chunk, dst, zeros128)
    do_parts = _make_cnt()(ones_chunk, src, zeros128)
    dia, dib = di_parts[0, :, :16], di_parts[1, :, :16]
    doa, dob = do_parts[0, :, :16], do_parts[1, :, :16]

    d16 = _row_spec(16)
    t0 = _tc_call(_tc0_body, [_row_spec(128), d16, d16], 128,
                  (xp, doa, dob))
    a1 = _make_agg(128)(t0, src, dst, zeros128)
    t1 = _tc_call(
        _tc1_body,
        [_row_spec(128), _row_spec(128), d16, d16, d16, d16,
         _full_spec((128, 128)), _full_spec((1, 128))],
        128, (a1[0], a1[1], dia, dib, doa, dob, W1, b1r))
    a2 = _make_agg(128)(t1, src, dst, zeros128)
    t2 = _tc_call(
        _tc1_body,
        [_row_spec(128), _row_spec(128), d16, d16, d16, d16,
         _full_spec((128, 128)), _full_spec((1, 128))],
        128, (a2[0], a2[1], dia, dib, doa, dob, W2, b2r))
    a3 = _make_agg(128)(t2, src, dst, zeros128)
    out = _tc_call(
        _tc3_body,
        [_row_spec(128), _row_spec(128), d16, d16,
         _full_spec((128, 64)), _full_spec((1, 64))],
        64, (a3[0], a3[1], dia, dib, W3, b3r))
    return out[:N]

# --- scband reference (transcript-rebuilt; emitter-appended) ---
"""Pipeline reference for scband-gcn-36481452212847 (READ-ONLY COPY).

The authoritative reference and input builder live on the scoring server;
editing this copy changes nothing except your own understanding.
"""

import jax, jax.numpy as jnp
import numpy as np

N = 10000
E = 320000
D = 128
H = 64


def setup_inputs(seed: int = 0) -> dict:
    key = jax.random.key(seed)
    ks = jax.random.split(key, 8)
    x = jax.random.normal(ks[0], (N, D), dtype=jnp.float32)
    edge_index = jax.random.randint(ks[1], (2, E), 0, N, dtype=jnp.int32)
    # GraphConv layer parameters (glorot-style init, zero bias like DGL defaults)
    W1 = jax.random.normal(ks[2], (D, 2 * H), dtype=jnp.float32) * (1.0 / np.sqrt(D))
    b1 = jnp.zeros((2 * H,), dtype=jnp.float32)
    W2 = jax.random.normal(ks[3], (2 * H, 2 * H), dtype=jnp.float32) * (1.0 / np.sqrt(2 * H))
    b2 = jnp.zeros((2 * H,), dtype=jnp.float32)
    W3 = jax.random.normal(ks[4], (2 * H, H), dtype=jnp.float32) * (1.0 / np.sqrt(2 * H))
    b3 = jnp.zeros((H,), dtype=jnp.float32)
    return {"x": x, "edge_index": edge_index, "W1": W1, "b1": b1, "W2": W2, "b2": b2, "W3": W3, "b3": b3}


def _graph_conv(x, src, dst, W, b):
    # Faithful to dgl.nn.GraphConv(norm='both', allow_zero_in_degree=True):
    # feat_src scaled by out_degree^-1/2 (clamped to >=1),
    # scatter-add aggregation src->dst, result scaled by in_degree^-1/2 (clamped), + bias.
    out_deg = jnp.zeros((N,), jnp.float32).at[src].add(1.0)
    in_deg = jnp.zeros((N,), jnp.float32).at[dst].add(1.0)
    norm_src = jnp.where(out_deg < 1.0, 1.0, out_deg) ** -0.5
    norm_dst = jnp.where(in_deg < 1.0, 1.0, in_deg) ** -0.5
    h = x * norm_src[:, None]
    if W.shape[0] > W.shape[1]:
        # in_feats > out_feats: multiply by weight first, then aggregate
        h = h @ W
        agg = jnp.zeros((N, W.shape[1]), jnp.float32).at[dst].add(h[src])
    else:
        # aggregate first, then multiply by weight
        agg = jnp.zeros((N, W.shape[0]), jnp.float32).at[dst].add(h[src])
        agg = agg @ W
    agg = agg * norm_dst[:, None]
    return agg + b


def reference(x, edge_index, W1, b1, W2, b2, W3, b3):
    src = edge_index[0]
    dst = edge_index[1]
    h = _graph_conv(x, src, dst, W1, b1)
    h = jax.nn.relu(h)
    h = _graph_conv(h, src, dst, W2, b2)
    h = jax.nn.relu(h)
    h = _graph_conv(h, src, dst, W3, b3)
    return h

if __name__ == "__main__":
    import jax
    _d = setup_inputs()
    print(jax.jit(kernel)(*tuple(_d.values())))

</pallas_src>

<mosaic_0001>
#map = affine_map<(d0, d1) -> (0, 0)>
#map1 = affine_map<(d0, d1) -> (0, 0, 0)>
module attributes {stable_mosaic.version = 14 : i64} {
  func.func @cnt(%arg0: i32, %arg1: i32, %arg2: memref<128x128xf32, #tpu.memory_space<hbm>>, %arg3: memref<32x80x128xi32, #tpu.memory_space<hbm>>, %arg4: memref<10240x128xf32, #tpu.memory_space<hbm>>, %arg5: memref<2x10240x128xf32, #tpu.memory_space<hbm>>, %arg6: memref<80x128xi32, #tpu.memory_space<vmem>>, %arg7: memref<128x128xf32, #tpu.memory_space<vmem>>, %arg8: memref<128xi32, #tpu.memory_space<vmem>>, %arg9: memref<10240x128xf32, #tpu.memory_space<vmem_shared>>) attributes {dimension_semantics = [#tpu.dimension_semantics<core_parallel>, #tpu.dimension_semantics<subcore_parallel>], iteration_bounds = array<i64: 2, 16>, scalar_prefetch = 0 : i64, scratch_operands = 4 : i64, tpu.core_type = #tpu.core_type<sc_vector_subcore>, window_params = [{transform_indices = #map}, {transform_indices = #map1}, {transform_indices = #map}, {transform_indices = #map1}]} {
    %mul3A = arith.constant 16 : i32
    %mul3A_0 = arith.muli %arg0, %mul3A : i32
    %add3A = arith.addi %mul3A_0, %arg1 : i32
    "tpu.region"() ({
      %run_scoped3A = tpu.sem_alloc : memref<!tpu.dma_semaphore, #tpu.memory_space<semaphore_mem>>
      %dma_start3A = arith.constant 0 : i32
      %dma_start3A_14 = arith.constant 0 : i32
      %dma_start3A_15 = tpu.memref_slice %arg3[%add3A, %dma_start3A, %dma_start3A_14] : memref<32x80x128xi32, #tpu.memory_space<hbm>> -> memref<1x80x128xi32, #tpu.memory_space<hbm>>
      %dma_start3A_16 = tpu.memref_squeeze %dma_start3A_15 : memref<1x80x128xi32, #tpu.memory_space<hbm>> -> memref<80x128xi32, #tpu.memory_space<hbm>>
      %dma_start3A_17 = arith.constant 0 : i32
      %dma_start3A_18 = arith.constant 0 : i32
      %dma_start3A_19 = tpu.memref_slice %arg3[%add3A, %dma_start3A_17, %dma_start3A_18] : memref<32x80x128xi32, #tpu.memory_space<hbm>> -> memref<1x80x128xi32, #tpu.memory_space<hbm>>
      %dma_start3A_20 = tpu.memref_squeeze %dma_start3A_19 : memref<1x80x128xi32, #tpu.memory_space<hbm>> -> memref<80x128xi32, #tpu.memory_space<hbm>>
      tpu.enqueue_dma source(%dma_start3A_20 : memref<80x128xi32, #tpu.memory_space<hbm>>) target(%arg6 : memref<80x128xi32, #tpu.memory_space<vmem>>) target_semaphore(%run_scoped3A : memref<!tpu.dma_semaphore, #tpu.memory_space<semaphore_mem>>)
      %dma_wait3A = arith.constant 0 : i32
      %dma_wait3A_21 = arith.constant 0 : i32
      %dma_wait3A_22 = tpu.memref_slice %arg3[%add3A, %dma_wait3A, %dma_wait3A_21] : memref<32x80x128xi32, #tpu.memory_space<hbm>> -> memref<1x80x128xi32, #tpu.memory_space<hbm>>
      %dma_wait3A_23 = tpu.memref_squeeze %dma_wait3A_22 : memref<1x80x128xi32, #tpu.memory_space<hbm>> -> memref<80x128xi32, #tpu.memory_space<hbm>>
      %dma_wait3A_24 = arith.constant 0 : i32
      %dma_wait3A_25 = arith.constant 0 : i32
      %dma_wait3A_26 = tpu.memref_slice %arg3[%add3A, %dma_wait3A_24, %dma_wait3A_25] : memref<32x80x128xi32, #tpu.memory_space<hbm>> -> memref<1x80x128xi32, #tpu.memory_space<hbm>>
      %dma_wait3A_27 = tpu.memref_squeeze %dma_wait3A_26 : memref<1x80x128xi32, #tpu.memory_space<hbm>> -> memref<80x128xi32, #tpu.memory_space<hbm>>
      tpu.wait_dma2 semaphore(%run_scoped3A : memref<!tpu.dma_semaphore, #tpu.memory_space<semaphore_mem>>) src(%dma_wait3A_27 : memref<80x128xi32, #tpu.memory_space<hbm>>) dst(%arg6 : memref<80x128xi32, #tpu.memory_space<vmem>>)
      tpu.yield
    }) : () -> ()
    "tpu.region"() ({
      %run_scoped3A = tpu.sem_alloc : memref<!tpu.dma_semaphore, #tpu.memory_space<semaphore_mem>>
      tpu.enqueue_dma source(%arg2 : memref<128x128xf32, #tpu.memory_space<hbm>>) target(%arg7 : memref<128x128xf32, #tpu.memory_space<vmem>>) target_semaphore(%run_scoped3A : memref<!tpu.dma_semaphore, #tpu.memory_space<semaphore_mem>>)
      tpu.wait_dma2 semaphore(%run_scoped3A : memref<!tpu.dma_semaphore, #tpu.memory_space<semaphore_mem>>) src(%arg2 : memref<128x128xf32, #tpu.memory_space<hbm>>) dst(%arg7 : memref<128x128xf32, #tpu.memory_space<vmem>>)
      tpu.yield
    }) : () -> ()
    %eq3A = arith.constant 0 : i32
    %eq3A_1 = arith.cmpi eq, %arg1, %eq3A : i32
    %convert_element_type3A = arith.extui %eq3A_1 : i1 to i32
    %cond3A = arith.constant 0 : i32
    %cond3A_2 = arith.cmpi ne, %convert_element_type3A, %cond3A : i32
    scf.if %cond3A_2 {
      "tpu.region"() ({
        %run_scoped3A = tpu.sem_alloc : memref<!tpu.dma_semaphore, #tpu.memory_space<semaphore_mem>>
        tpu.enqueue_dma source(%arg4 : memref<10240x128xf32, #tpu.memory_space<hbm>>) target(%arg9 : memref<10240x128xf32, #tpu.memory_space<vmem_shared>>) target_semaphore(%run_scoped3A : memref<!tpu.dma_semaphore, #tpu.memory_space<semaphore_mem>>)
        tpu.wait_dma2 semaphore(%run_scoped3A : memref<!tpu.dma_semaphore, #tpu.memory_space<semaphore_mem>>) src(%arg4 : memref<10240x128xf32, #tpu.memory_space<hbm>>) dst(%arg9 : memref<10240x128xf32, #tpu.memory_space<vmem_shared>>)
        tpu.yield
      }) : () -> ()
    } else {
    }
    %barrier3A = arith.constant 0 : index
    tpu.barrier barrier_id(%barrier3A)
    %scan3A = arith.constant 0 : i32
    %scan3A_3 = arith.constant 0 : i32
    %scan3A_4 = arith.constant 80 : i32
    %scan3A_5 = arith.addi %scan3A_3, %scan3A_4 : i32
    %scan3A_6 = arith.constant 1 : i32
    scf.for %scan3A_14 = %scan3A_3 to %scan3A_5 step %scan3A_6  : i32 {
      %get3A = arith.index_cast %scan3A_14 : i32 to index
      %get3A_15 = arith.constant 0 : index
      %get3A_16 = tpu.vector_load %arg6[%get3A, %get3A_15] {strides = array<i32>} : memref<80x128xi32, #tpu.memory_space<vmem>>, vector<1x16xi32>,
      %get3A_17 = vector.shape_cast %get3A_16 : vector<1x16xi32> to vector<16xi32>
      %swap3A = arith.constant 0 : index
      %swap3A_18 = tpu.vector_load %arg8[%swap3A] {strides = array<i32>} : memref<128xi32, #tpu.memory_space<vmem>>, vector<16xi32>,
      %swap3A_19 = vector.shape_cast %swap3A_18 : vector<16xi32> to vector<16xi32>
      %swap3A_20 = vector.shape_cast %get3A_17 : vector<16xi32> to vector<16xi32>
      tpu.vector_store %arg8[%swap3A], %swap3A_20 {strides = array<i32>} : memref<128xi32, #tpu.memory_space<vmem>>, vector<16xi32>,
      %get3A_21 = arith.index_cast %scan3A_14 : i32 to index
      %get3A_22 = arith.constant 16 : index
      %get3A_23 = tpu.vector_load %arg6[%get3A_21, %get3A_22] {strides = array<i32>} : memref<80x128xi32, #tpu.memory_space<vmem>>, vector<1x16xi32>,
      %get3A_24 = vector.shape_cast %get3A_23 : vector<1x16xi32> to vector<16xi32>
      %swap3A_25 = arith.constant 16 : index
      %swap3A_26 = tpu.vector_load %arg8[%swap3A_25] {strides = array<i32>} : memref<128xi32, #tpu.memory_space<vmem>>, vector<16xi32>,
      %swap3A_27 = vector.shape_cast %swap3A_26 : vector<16xi32> to vector<16xi32>
      %swap3A_28 = vector.shape_cast %get3A_24 : vector<16xi32> to vector<16xi32>
      tpu.vector_store %arg8[%swap3A_25], %swap3A_28 {strides = array<i32>} : memref<128xi32, #tpu.memory_space<vmem>>, vector<16xi32>,
      %get3A_29 = arith.index_cast %scan3A_14 : i32 to index
      %get3A_30 = arith.constant 32 : index
      %get3A_31 = tpu.vector_load %arg6[%get3A_29, %get3A_30] {strides = array<i32>} : memref<80x128xi32, #tpu.memory_space<vmem>>, vector<1x16xi32>,
      %get3A_32 = vector.shape_cast %get3A_31 : vector<1x16xi32> to vector<16xi32>
      %swap3A_33 = arith.constant 32 : index
      %swap3A_34 = tpu.vector_load %arg8[%swap3A_33] {strides = array<i32>} : memref<128xi32, #tpu.memory_space<vmem>>, vector<16xi32>,
      %swap3A_35 = vector.shape_cast %swap3A_34 : vector<16xi32> to vector<16xi32>
      %swap3A_36 = vector.shape_cast %get3A_32 : vector<16xi32> to vector<16xi32>
      tpu.vector_store %arg8[%swap3A_33], %swap3A_36 {strides = array<i32>} : memref<128xi32, #tpu.memory_space<vmem>>, vector<16xi32>,
      %get3A_37 = arith.index_cast %scan3A_14 : i32 to index
      %get3A_38 = arith.constant 48 : index
      %get3A_39 = tpu.vector_load %arg6[%get3A_37, %get3A_38] {strides = array<i32>} : memref<80x128xi32, #tpu.memory_space<vmem>>, vector<1x16xi32>,
      %get3A_40 = vector.shape_cast %get3A_39 : vector<1x16xi32> to vector<16xi32>
      %swap3A_41 = arith.constant 48 : index
      %swap3A_42 = tpu.vector_load %arg8[%swap3A_41] {strides = array<i32>} : memref<128xi32, #tpu.memory_space<vmem>>, vector<16xi32>,
      %swap3A_43 = vector.shape_cast %swap3A_42 : vector<16xi32> to vector<16xi32>
      %swap3A_44 = vector.shape_cast %get3A_40 : vector<16xi32> to vector<16xi32>
      tpu.vector_store %arg8[%swap3A_41], %swap3A_44 {strides = array<i32>} : memref<128xi32, #tpu.memory_space<vmem>>, vector<16xi32>,
      %get3A_45 = arith.index_cast %scan3A_14 : i32 to index
      %get3A_46 = arith.constant 64 : index
      %get3A_47 = tpu.vector_load %arg6[%get3A_45, %get3A_46] {strides = array<i32>} : memref<80x128xi32, #tpu.memory_space<vmem>>, vector<1x16xi32>,
      %get3A_48 = vector.shape_cast %get3A_47 : vector<1x16xi32> to vector<16xi32>
      %swap3A_49 = arith.constant 64 : index
      %swap3A_50 = tpu.vector_load %arg8[%swap3A_49] {strides = array<i32>} : memref<128xi32, #tpu.memory_space<vmem>>, vector<16xi32>,
      %swap3A_51 = vector.shape_cast %swap3A_50 : vector<16xi32> to vector<16xi32>
      %swap3A_52 = vector.shape_cast %get3A_48 : vector<16xi32> to vector<16xi32>
      tpu.vector_store %arg8[%swap3A_49], %swap3A_52 {strides = array<i32>} : memref<128xi32, #tpu.memory_space<vmem>>, vector<16xi32>,
      %get3A_53 = arith.index_cast %scan3A_14 : i32 to index
      %get3A_54 = arith.constant 80 : index
      %get3A_55 = tpu.vector_load %arg6[%get3A_53, %get3A_54] {strides = array<i32>} : memref<80x128xi32, #tpu.memory_space<vmem>>, vector<1x16xi32>,
      %get3A_56 = vector.shape_cast %get3A_55 : vector<1x16xi32> to vector<16xi32>
      %swap3A_57 = arith.constant 80 : index
      %swap3A_58 = tpu.vector_load %arg8[%swap3A_57] {strides = array<i32>} : memref<128xi32, #tpu.memory_space<vmem>>, vector<16xi32>,
      %swap3A_59 = vector.shape_cast %swap3A_58 : vector<16xi32> to vector<16xi32>
      %swap3A_60 = vector.shape_cast %get3A_56 : vector<16xi32> to vector<16xi32>
      tpu.vector_store %arg8[%swap3A_57], %swap3A_60 {strides = array<i32>} : memref<128xi32, #tpu.memory_space<vmem>>, vector<16xi32>,
      %get3A_61 = arith.index_cast %scan3A_14 : i32 to index
      %get3A_62 = arith.constant 96 : index
      %get3A_63 = tpu.vector_load %arg6[%get3A_61, %get3A_62] {strides = array<i32>} : memref<80x128xi32, #tpu.memory_space<vmem>>, vector<1x16xi32>,
      %get3A_64 = vector.shape_cast %get3A_63 : vector<1x16xi32> to vector<16xi32>
      %swap3A_65 = arith.constant 96 : index
      %swap3A_66 = tpu.vector_load %arg8[%swap3A_65] {strides = array<i32>} : memref<128xi32, #tpu.memory_space<vmem>>, vector<16xi32>,
      %swap3A_67 = vector.shape_cast %swap3A_66 : vector<16xi32> to vector<16xi32>
      %swap3A_68 = vector.shape_cast %get3A_64 : vector<16xi32> to vector<16xi32>
      tpu.vector_store %arg8[%swap3A_65], %swap3A_68 {strides = array<i32>} : memref<128xi32, #tpu.memory_space<vmem>>, vector<16xi32>,
      %get3A_69 = arith.index_cast %scan3A_14 : i32 to index
      %get3A_70 = arith.constant 112 : index
      %get3A_71 = tpu.vector_load %arg6[%get3A_69, %get3A_70] {strides = array<i32>} : memref<80x128xi32, #tpu.memory_space<vmem>>, vector<1x16xi32>,
      %get3A_72 = vector.shape_cast %get3A_71 : vector<1x16xi32> to vector<16xi32>
      %swap3A_73 = arith.constant 112 : index
      %swap3A_74 = tpu.vector_load %arg8[%swap3A_73] {strides = array<i32>} : memref<128xi32, #tpu.memory_space<vmem>>, vector<16xi32>,
      %swap3A_75 = vector.shape_cast %swap3A_74 : vector<16xi32> to vector<16xi32>
      %swap3A_76 = vector.shape_cast %get3A_72 : vector<16xi32> to vector<16xi32>
      tpu.vector_store %arg8[%swap3A_73], %swap3A_76 {strides = array<i32>} : memref<128xi32, #tpu.memory_space<vmem>>, vector<16xi32>,
      "tpu.region"() ({
        %run_scoped3A = tpu.sem_alloc : memref<!tpu.dma_semaphore, #tpu.memory_space<semaphore_mem>>
        %dma_start3A = arith.constant 0 : i32
        %dma_start3A_77 = arith.constant 0 : i32
        %dma_start3A_78 = tpu.memref_slice %arg9[%dma_start3A, %dma_start3A_77] : memref<10240x128xf32, #tpu.memory_space<vmem_shared>> -> memref<10240x128xf32, #tpu.memory_space<vmem_shared>>
        tpu.enqueue_indirect_dma source(%arg7 : memref<128x128xf32, #tpu.memory_space<vmem>>) target(%dma_start3A_78 : memref<10240x128xf32, #tpu.memory_space<vmem_shared>>) offsets(%arg8 : memref<128xi32, #tpu.memory_space<vmem>>) semaphore(%run_scoped3A : memref<!tpu.dma_semaphore, #tpu.memory_space<semaphore_mem>>) {add = true}
        %dma_wait3A = arith.constant 0 : i32
        %dma_wait3A_79 = arith.constant 0 : i32
        %dma_wait3A_80 = tpu.memref_slice %arg9[%dma_wait3A, %dma_wait3A_79] : memref<10240x128xf32, #tpu.memory_space<vmem_shared>> -> memref<10240x128xf32, #tpu.memory_space<vmem_shared>>
        tpu.wait_indirect_dma semaphore(%run_scoped3A : memref<!tpu.dma_semaphore, #tpu.memory_space<semaphore_mem>>) src(%arg7 : memref<128x128xf32, #tpu.memory_space<vmem>>) dst(%dma_wait3A_80 : memref<10240x128xf32, #tpu.memory_space<vmem_shared>>)
        tpu.yield
      }) : () -> ()
    }
    %scan3A_7 = arith.constant 80 : i32
    %barrier3A_8 = arith.constant 0 : index
    tpu.barrier barrier_id(%barrier3A_8)
    %eq3A_9 = arith.constant 0 : i32
    %eq3A_10 = arith.cmpi eq, %arg1, %eq3A_9 : i32
    %convert_element_type3A_11 = arith.extui %eq3A_10 : i1 to i32
    %cond3A_12 = arith.constant 0 : i32
    %cond3A_13 = arith.cmpi ne, %convert_element_type3A_11, %cond3A_12 : i32
    scf.if %cond3A_13 {
      "tpu.region"() ({
        %run_scoped3A = tpu.sem_alloc : memref<!tpu.dma_semaphore, #tpu.memory_space<semaphore_mem>>
        %dma_start3A = arith.constant 0 : i32
        %dma_start3A_14 = arith.constant 0 : i32
        %dma_start3A_15 = tpu.memref_slice %arg5[%arg0, %dma_start3A, %dma_start3A_14] : memref<2x10240x128xf32, #tpu.memory_space<hbm>> -> memref<1x10240x128xf32, #tpu.memory_space<hbm>>
        %dma_start3A_16 = tpu.memref_squeeze %dma_start3A_15 : memref<1x10240x128xf32, #tpu.memory_space<hbm>> -> memref<10240x128xf32, #tpu.memory_space<hbm>>
        tpu.enqueue_dma source(%arg9 : memref<10240x128xf32, #tpu.memory_space<vmem_shared>>) target(%dma_start3A_16 : memref<10240x128xf32, #tpu.memory_space<hbm>>) target_semaphore(%run_scoped3A : memref<!tpu.dma_semaphore, #tpu.memory_space<semaphore_mem>>)
        %dma_wait3A = arith.constant 0 : i32
        %dma_wait3A_17 = arith.constant 0 : i32
        %dma_wait3A_18 = tpu.memref_slice %arg5[%arg0, %dma_wait3A, %dma_wait3A_17] : memref<2x10240x128xf32, #tpu.memory_space<hbm>> -> memref<1x10240x128xf32, #tpu.memory_space<hbm>>
        %dma_wait3A_19 = tpu.memref_squeeze %dma_wait3A_18 : memref<1x10240x128xf32, #tpu.memory_space<hbm>> -> memref<10240x128xf32, #tpu.memory_space<hbm>>
        tpu.wait_dma2 semaphore(%run_scoped3A : memref<!tpu.dma_semaphore, #tpu.memory_space<semaphore_mem>>) src(%arg9 : memref<10240x128xf32, #tpu.memory_space<vmem_shared>>) dst(%dma_wait3A_19 : memref<10240x128xf32, #tpu.memory_space<hbm>>)
        tpu.yield
      }) : () -> ()
    } else {
    }
    return
  }
}

#map = affine_map<(d0, d1) -> (0, 0)>
#map1 = affine_map<(d0, d1) -> (0, 0, 0)>
module attributes {stable_mosaic.version = 14 : i64} {
  func.func @agg(%arg0: i32, %arg1: i32, %arg2: memref<10240x128xf32, #tpu.memory_space<hbm>>, %arg3: memref<32x80x128xi32, #tpu.memory_space<hbm>>, %arg4: memref<32x80x128xi32, #tpu.memory_space<hbm>>, %arg5: memref<10240x128xf32, #tpu.memory_space<hbm>>, %arg6: memref<2x10240x128xf32, #tpu.memory_space<hbm>>, %arg7: memref<80x128xi32, #tpu.memory_space<vmem>>, %arg8: memref<80x128xi32, #tpu.memory_space<vmem>>, %arg9: memref<128x128xf32, #tpu.memory_space<vmem>>, %arg10: memref<128xi32, #tpu.memory_space<vmem>>, %arg11: memref<10240x128xf32, #tpu.memory_space<vmem_shared>>) attributes {dimension_semantics = [#tpu.dimension_semantics<core_parallel>, #tpu.dimension_semantics<subcore_parallel>], iteration_bounds = array<i64: 2, 16>, scalar_prefetch = 0 : i64, scratch_operands = 5 : i64, tpu.core_type = #tpu.core_type<sc_vector_subcore>, window_params = [{transform_indices = #map}, {transform_indices = #map1}, {transform_indices = #map1}, {transform_indices = #map}, {transform_indices = #map1}]} {
    %mul3A = arith.constant 16 : i32
    %mul3A_0 = arith.muli %arg0, %mul3A : i32
    %add3A = arith.addi %mul3A_0, %arg1 : i32
    "tpu.region"() ({
      %run_scoped3A = tpu.sem_alloc : memref<!tpu.dma_semaphore, #tpu.memory_space<semaphore_mem>>
      %dma_start3A = arith.constant 0 : i32
      %dma_start3A_14 = arith.constant 0 : i32
      %dma_start3A_15 = tpu.memref_slice %arg3[%add3A, %dma_start3A, %dma_start3A_14] : memref<32x80x128xi32, #tpu.memory_space<hbm>> -> memref<1x80x128xi32, #tpu.memory_space<hbm>>
      %dma_start3A_16 = tpu.memref_squeeze %dma_start3A_15 : memref<1x80x128xi32, #tpu.memory_space<hbm>> -> memref<80x128xi32, #tpu.memory_space<hbm>>
      %dma_start3A_17 = arith.constant 0 : i32
      %dma_start3A_18 = arith.constant 0 : i32
      %dma_start3A_19 = tpu.memref_slice %arg3[%add3A, %dma_start3A_17, %dma_start3A_18] : memref<32x80x128xi32, #tpu.memory_space<hbm>> -> memref<1x80x128xi32, #tpu.memory_space<hbm>>
      %dma_start3A_20 = tpu.memref_squeeze %dma_start3A_19 : memref<1x80x128xi32, #tpu.memory_space<hbm>> -> memref<80x128xi32, #tpu.memory_space<hbm>>
      tpu.enqueue_dma source(%dma_start3A_20 : memref<80x128xi32, #tpu.memory_space<hbm>>) target(%arg7 : memref<80x128xi32, #tpu.memory_space<vmem>>) target_semaphore(%run_scoped3A : memref<!tpu.dma_semaphore, #tpu.memory_space<semaphore_mem>>)
      %dma_wait3A = arith.constant 0 : i32
      %dma_wait3A_21 = arith.constant 0 : i32
      %dma_wait3A_22 = tpu.memref_slice %arg3[%add3A, %dma_wait3A, %dma_wait3A_21] : memref<32x80x128xi32, #tpu.memory_space<hbm>> -> memref<1x80x128xi32, #tpu.memory_space<hbm>>
      %dma_wait3A_23 = tpu.memref_squeeze %dma_wait3A_22 : memref<1x80x128xi32, #tpu.memory_space<hbm>> -> memref<80x128xi32, #tpu.memory_space<hbm>>
      %dma_wait3A_24 = arith.constant 0 : i32
      %dma_wait3A_25 = arith.constant 0 : i32
      %dma_wait3A_26 = tpu.memref_slice %arg3[%add3A, %dma_wait3A_24, %dma_wait3A_25] : memref<32x80x128xi32, #tpu.memory_space<hbm>> -> memref<1x80x128xi32, #tpu.memory_space<hbm>>
      %dma_wait3A_27 = tpu.memref_squeeze %dma_wait3A_26 : memref<1x80x128xi32, #tpu.memory_space<hbm>> -> memref<80x128xi32, #tpu.memory_space<hbm>>
      tpu.wait_dma2 semaphore(%run_scoped3A : memref<!tpu.dma_semaphore, #tpu.memory_space<semaphore_mem>>) src(%dma_wait3A_27 : memref<80x128xi32, #tpu.memory_space<hbm>>) dst(%arg7 : memref<80x128xi32, #tpu.memory_space<vmem>>)
      tpu.yield
    }) : () -> ()
    "tpu.region"() ({
      %run_scoped3A = tpu.sem_alloc : memref<!tpu.dma_semaphore, #tpu.memory_space<semaphore_mem>>
      %dma_start3A = arith.constant 0 : i32
      %dma_start3A_14 = arith.constant 0 : i32
      %dma_start3A_15 = tpu.memref_slice %arg4[%add3A, %dma_start3A, %dma_start3A_14] : memref<32x80x128xi32, #tpu.memory_space<hbm>> -> memref<1x80x128xi32, #tpu.memory_space<hbm>>
      %dma_start3A_16 = tpu.memref_squeeze %dma_start3A_15 : memref<1x80x128xi32, #tpu.memory_space<hbm>> -> memref<80x128xi32, #tpu.memory_space<hbm>>
      %dma_start3A_17 = arith.constant 0 : i32
      %dma_start3A_18 = arith.constant 0 : i32
      %dma_start3A_19 = tpu.memref_slice %arg4[%add3A, %dma_start3A_17, %dma_start3A_18] : memref<32x80x128xi32, #tpu.memory_space<hbm>> -> memref<1x80x128xi32, #tpu.memory_space<hbm>>
      %dma_start3A_20 = tpu.memref_squeeze %dma_start3A_19 : memref<1x80x128xi32, #tpu.memory_space<hbm>> -> memref<80x128xi32, #tpu.memory_space<hbm>>
      tpu.enqueue_dma source(%dma_start3A_20 : memref<80x128xi32, #tpu.memory_space<hbm>>) target(%arg8 : memref<80x128xi32, #tpu.memory_space<vmem>>) target_semaphore(%run_scoped3A : memref<!tpu.dma_semaphore, #tpu.memory_space<semaphore_mem>>)
      %dma_wait3A = arith.constant 0 : i32
      %dma_wait3A_21 = arith.constant 0 : i32
      %dma_wait3A_22 = tpu.memref_slice %arg4[%add3A, %dma_wait3A, %dma_wait3A_21] : memref<32x80x128xi32, #tpu.memory_space<hbm>> -> memref<1x80x128xi32, #tpu.memory_space<hbm>>
      %dma_wait3A_23 = tpu.memref_squeeze %dma_wait3A_22 : memref<1x80x128xi32, #tpu.memory_space<hbm>> -> memref<80x128xi32, #tpu.memory_space<hbm>>
      %dma_wait3A_24 = arith.constant 0 : i32
      %dma_wait3A_25 = arith.constant 0 : i32
      %dma_wait3A_26 = tpu.memref_slice %arg4[%add3A, %dma_wait3A_24, %dma_wait3A_25] : memref<32x80x128xi32, #tpu.memory_space<hbm>> -> memref<1x80x128xi32, #tpu.memory_space<hbm>>
      %dma_wait3A_27 = tpu.memref_squeeze %dma_wait3A_26 : memref<1x80x128xi32, #tpu.memory_space<hbm>> -> memref<80x128xi32, #tpu.memory_space<hbm>>
      tpu.wait_dma2 semaphore(%run_scoped3A : memref<!tpu.dma_semaphore, #tpu.memory_space<semaphore_mem>>) src(%dma_wait3A_27 : memref<80x128xi32, #tpu.memory_space<hbm>>) dst(%arg8 : memref<80x128xi32, #tpu.memory_space<vmem>>)
      tpu.yield
    }) : () -> ()
    %eq3A = arith.constant 0 : i32
    %eq3A_1 = arith.cmpi eq, %arg1, %eq3A : i32
    %convert_element_type3A = arith.extui %eq3A_1 : i1 to i32
    %cond3A = arith.constant 0 : i32
    %cond3A_2 = arith.cmpi ne, %convert_element_type3A, %cond3A : i32
    scf.if %cond3A_2 {
      "tpu.region"() ({
        %run_scoped3A = tpu.sem_alloc : memref<!tpu.dma_semaphore, #tpu.memory_space<semaphore_mem>>
        tpu.enqueue_dma source(%arg5 : memref<10240x128xf32, #tpu.memory_space<hbm>>) target(%arg11 : memref<10240x128xf32, #tpu.memory_space<vmem_shared>>) target_semaphore(%run_scoped3A : memref<!tpu.dma_semaphore, #tpu.memory_space<semaphore_mem>>)
        tpu.wait_dma2 semaphore(%run_scoped3A : memref<!tpu.dma_semaphore, #tpu.memory_space<semaphore_mem>>) src(%arg5 : memref<10240x128xf32, #tpu.memory_space<hbm>>) dst(%arg11 : memref<10240x128xf32, #tpu.memory_space<vmem_shared>>)
        tpu.yield
      }) : () -> ()
    } else {
    }
    %barrier3A = arith.constant 0 : index
    tpu.barrier barrier_id(%barrier3A)
    %scan3A = arith.constant 0 : i32
    %scan3A_3 = arith.constant 0 : i32
    %scan3A_4 = arith.constant 80 : i32
    %scan3A_5 = arith.addi %scan3A_3, %scan3A_4 : i32
    %scan3A_6 = arith.constant 1 : i32
    scf.for %scan3A_14 = %scan3A_3 to %scan3A_5 step %scan3A_6  : i32 {
      "tpu.region"() ({
        %run_scoped3A = tpu.sem_alloc : memref<!tpu.dma_semaphore, #tpu.memory_space<semaphore_mem>>
        %dma_start3A = arith.constant 0 : i32
        %dma_start3A_77 = tpu.memref_slice %arg7[%scan3A_14, %dma_start3A] : memref<80x128xi32, #tpu.memory_space<vmem>> -> memref<1x128xi32, #tpu.memory_space<vmem>>
        %dma_start3A_78 = tpu.memref_squeeze %dma_start3A_77 : memref<1x128xi32, #tpu.memory_space<vmem>> -> memref<128xi32, #tpu.memory_space<vmem>>
        %dma_start3A_79 = arith.constant 0 : i32
        %dma_start3A_80 = arith.constant 0 : i32
        %dma_start3A_81 = tpu.memref_slice %arg2[%dma_start3A_79, %dma_start3A_80] : memref<10240x128xf32, #tpu.memory_space<hbm>> -> memref<10240x128xf32, #tpu.memory_space<hbm>>
        tpu.enqueue_indirect_dma source(%dma_start3A_81 : memref<10240x128xf32, #tpu.memory_space<hbm>>) target(%arg9 : memref<128x128xf32, #tpu.memory_space<vmem>>) offsets(%dma_start3A_78 : memref<128xi32, #tpu.memory_space<vmem>>) semaphore(%run_scoped3A : memref<!tpu.dma_semaphore, #tpu.memory_space<semaphore_mem>>)
        %dma_wait3A = arith.constant 0 : i32
        %dma_wait3A_82 = tpu.memref_slice %arg7[%scan3A_14, %dma_wait3A] : memref<80x128xi32, #tpu.memory_space<vmem>> -> memref<1x128xi32, #tpu.memory_space<vmem>>
        %dma_wait3A_83 = tpu.memref_squeeze %dma_wait3A_82 : memref<1x128xi32, #tpu.memory_space<vmem>> -> memref<128xi32, #tpu.memory_space<vmem>>
        %dma_wait3A_84 = arith.constant 0 : i32
        %dma_wait3A_85 = arith.constant 0 : i32
        %dma_wait3A_86 = tpu.memref_slice %arg2[%dma_wait3A_84, %dma_wait3A_85] : memref<10240x128xf32, #tpu.memory_space<hbm>> -> memref<10240x128xf32, #tpu.memory_space<hbm>>
        tpu.wait_indirect_dma semaphore(%run_scoped3A : memref<!tpu.dma_semaphore, #tpu.memory_space<semaphore_mem>>) src(%dma_wait3A_86 : memref<10240x128xf32, #tpu.memory_space<hbm>>) dst(%arg9 : memref<128x128xf32, #tpu.memory_space<vmem>>)
        tpu.yield
      }) : () -> ()
      %get3A = arith.index_cast %scan3A_14 : i32 to index
      %get3A_15 = arith.constant 0 : index
      %get3A_16 = tpu.vector_load %arg8[%get3A, %get3A_15] {strides = array<i32>} : memref<80x128xi32, #tpu.memory_space<vmem>>, vector<1x16xi32>,
      %get3A_17 = vector.shape_cast %get3A_16 : vector<1x16xi32> to vector<16xi32>
      %swap3A = arith.constant 0 : index
      %swap3A_18 = tpu.vector_load %arg10[%swap3A] {strides = array<i32>} : memref<128xi32, #tpu.memory_space<vmem>>, vector<16xi32>,
      %swap3A_19 = vector.shape_cast %swap3A_18 : vector<16xi32> to vector<16xi32>
      %swap3A_20 = vector.shape_cast %get3A_17 : vector<16xi32> to vector<16xi32>
      tpu.vector_store %arg10[%swap3A], %swap3A_20 {strides = array<i32>} : memref<128xi32, #tpu.memory_space<vmem>>, vector<16xi32>,
      %get3A_21 = arith.index_cast %scan3A_14 : i32 to index
      %get3A_22 = arith.constant 16 : index
      %get3A_23 = tpu.vector_load %arg8[%get3A_21, %get3A_22] {strides = array<i32>} : memref<80x128xi32, #tpu.memory_space<vmem>>, vector<1x16xi32>,
      %get3A_24 = vector.shape_cast %get3A_23 : vector<1x16xi32> to vector<16xi32>
      %swap3A_25 = arith.constant 16 : index
      %swap3A_26 = tpu.vector_load %arg10[%swap3A_25] {strides = array<i32>} : memref<128xi32, #tpu.memory_space<vmem>>, vector<16xi32>,
      %swap3A_27 = vector.shape_cast %swap3A_26 : vector<16xi32> to vector<16xi32>
      %swap3A_28 = vector.shape_cast %get3A_24 : vector<16xi32> to vector<16xi32>
      tpu.vector_store %arg10[%swap3A_25], %swap3A_28 {strides = array<i32>} : memref<128xi32, #tpu.memory_space<vmem>>, vector<16xi32>,
      %get3A_29 = arith.index_cast %scan3A_14 : i32 to index
      %get3A_30 = arith.constant 32 : index
      %get3A_31 = tpu.vector_load %arg8[%get3A_29, %get3A_30] {strides = array<i32>} : memref<80x128xi32, #tpu.memory_space<vmem>>, vector<1x16xi32>,
      %get3A_32 = vector.shape_cast %get3A_31 : vector<1x16xi32> to vector<16xi32>
      %swap3A_33 = arith.constant 32 : index
      %swap3A_34 = tpu.vector_load %arg10[%swap3A_33] {strides = array<i32>} : memref<128xi32, #tpu.memory_space<vmem>>, vector<16xi32>,
      %swap3A_35 = vector.shape_cast %swap3A_34 : vector<16xi32> to vector<16xi32>
      %swap3A_36 = vector.shape_cast %get3A_32 : vector<16xi32> to vector<16xi32>
      tpu.vector_store %arg10[%swap3A_33], %swap3A_36 {strides = array<i32>} : memref<128xi32, #tpu.memory_space<vmem>>, vector<16xi32>,
      %get3A_37 = arith.index_cast %scan3A_14 : i32 to index
      %get3A_38 = arith.constant 48 : index
      %get3A_39 = tpu.vector_load %arg8[%get3A_37, %get3A_38] {strides = array<i32>} : memref<80x128xi32, #tpu.memory_space<vmem>>, vector<1x16xi32>,
      %get3A_40 = vector.shape_cast %get3A_39 : vector<1x16xi32> to vector<16xi32>
      %swap3A_41 = arith.constant 48 : index
      %swap3A_42 = tpu.vector_load %arg10[%swap3A_41] {strides = array<i32>} : memref<128xi32, #tpu.memory_space<vmem>>, vector<16xi32>,
      %swap3A_43 = vector.shape_cast %swap3A_42 : vector<16xi32> to vector<16xi32>
      %swap3A_44 = vector.shape_cast %get3A_40 : vector<16xi32> to vector<16xi32>
      tpu.vector_store %arg10[%swap3A_41], %swap3A_44 {strides = array<i32>} : memref<128xi32, #tpu.memory_space<vmem>>, vector<16xi32>,
      %get3A_45 = arith.index_cast %scan3A_14 : i32 to index
      %get3A_46 = arith.constant 64 : index
      %get3A_47 = tpu.vector_load %arg8[%get3A_45, %get3A_46] {strides = array<i32>} : memref<80x128xi32, #tpu.memory_space<vmem>>, vector<1x16xi32>,
      %get3A_48 = vector.shape_cast %get3A_47 : vector<1x16xi32> to vector<16xi32>
      %swap3A_49 = arith.constant 64 : index
      %swap3A_50 = tpu.vector_load %arg10[%swap3A_49] {strides = array<i32>} : memref<128xi32, #tpu.memory_space<vmem>>, vector<16xi32>,
      %swap3A_51 = vector.shape_cast %swap3A_50 : vector<16xi32> to vector<16xi32>
      %swap3A_52 = vector.shape_cast %get3A_48 : vector<16xi32> to vector<16xi32>
      tpu.vector_store %arg10[%swap3A_49], %swap3A_52 {strides = array<i32>} : memref<128xi32, #tpu.memory_space<vmem>>, vector<16xi32>,
      %get3A_53 = arith.index_cast %scan3A_14 : i32 to index
      %get3A_54 = arith.constant 80 : index
      %get3A_55 = tpu.vector_load %arg8[%get3A_53, %get3A_54] {strides = array<i32>} : memref<80x128xi32, #tpu.memory_space<vmem>>, vector<1x16xi32>,
      %get3A_56 = vector.shape_cast %get3A_55 : vector<1x16xi32> to vector<16xi32>
      %swap3A_57 = arith.constant 80 : index
      %swap3A_58 = tpu.vector_load %arg10[%swap3A_57] {strides = array<i32>} : memref<128xi32, #tpu.memory_space<vmem>>, vector<16xi32>,
      %swap3A_59 = vector.shape_cast %swap3A_58 : vector<16xi32> to vector<16xi32>
      %swap3A_60 = vector.shape_cast %get3A_56 : vector<16xi32> to vector<16xi32>
      tpu.vector_store %arg10[%swap3A_57], %swap3A_60 {strides = array<i32>} : memref<128xi32, #tpu.memory_space<vmem>>, vector<16xi32>,
      %get3A_61 = arith.index_cast %scan3A_14 : i32 to index
      %get3A_62 = arith.constant 96 : index
      %get3A_63 = tpu.vector_load %arg8[%get3A_61, %get3A_62] {strides = array<i32>} : memref<80x128xi32, #tpu.memory_space<vmem>>, vector<1x16xi32>,
      %get3A_64 = vector.shape_cast %get3A_63 : vector<1x16xi32> to vector<16xi32>
      %swap3A_65 = arith.constant 96 : index
      %swap3A_66 = tpu.vector_load %arg10[%swap3A_65] {strides = array<i32>} : memref<128xi32, #tpu.memory_space<vmem>>, vector<16xi32>,
      %swap3A_67 = vector.shape_cast %swap3A_66 : vector<16xi32> to vector<16xi32>
      %swap3A_68 = vector.shape_cast %get3A_64 : vector<16xi32> to vector<16xi32>
      tpu.vector_store %arg10[%swap3A_65], %swap3A_68 {strides = array<i32>} : memref<128xi32, #tpu.memory_space<vmem>>, vector<16xi32>,
      %get3A_69 = arith.index_cast %scan3A_14 : i32 to index
      %get3A_70 = arith.constant 112 : index
      %get3A_71 = tpu.vector_load %arg8[%get3A_69, %get3A_70] {strides = array<i32>} : memref<80x128xi32, #tpu.memory_space<vmem>>, vector<1x16xi32>,
      %get3A_72 = vector.shape_cast %get3A_71 : vector<1x16xi32> to vector<16xi32>
      %swap3A_73 = arith.constant 112 : index
      %swap3A_74 = tpu.vector_load %arg10[%swap3A_73] {strides = array<i32>} : memref<128xi32, #tpu.memory_space<vmem>>, vector<16xi32>,
      %swap3A_75 = vector.shape_cast %swap3A_74 : vector<16xi32> to vector<16xi32>
      %swap3A_76 = vector.shape_cast %get3A_72 : vector<16xi32> to vector<16xi32>
      tpu.vector_store %arg10[%swap3A_73], %swap3A_76 {strides = array<i32>} : memref<128xi32, #tpu.memory_space<vmem>>, vector<16xi32>,
      "tpu.region"() ({
        %run_scoped3A = tpu.sem_alloc : memref<!tpu.dma_semaphore, #tpu.memory_space<semaphore_mem>>
        %dma_start3A = arith.constant 0 : i32
        %dma_start3A_77 = arith.constant 0 : i32
        %dma_start3A_78 = tpu.memref_slice %arg11[%dma_start3A, %dma_start3A_77] : memref<10240x128xf32, #tpu.memory_space<vmem_shared>> -> memref<10240x128xf32, #tpu.memory_space<vmem_shared>>
        tpu.enqueue_indirect_dma source(%arg9 : memref<128x128xf32, #tpu.memory_space<vmem>>) target(%dma_start3A_78 : memref<10240x128xf32, #tpu.memory_space<vmem_shared>>) offsets(%arg10 : memref<128xi32, #tpu.memory_space<vmem>>) semaphore(%run_scoped3A : memref<!tpu.dma_semaphore, #tpu.memory_space<semaphore_mem>>) {add = true}
        %dma_wait3A = arith.constant 0 : i32
        %dma_wait3A_79 = arith.constant 0 : i32
        %dma_wait3A_80 = tpu.memref_slice %arg11[%dma_wait3A, %dma_wait3A_79] : memref<10240x128xf32, #tpu.memory_space<vmem_shared>> -> memref<10240x128xf32, #tpu.memory_space<vmem_shared>>
        tpu.wait_indirect_dma semaphore(%run_scoped3A : memref<!tpu.dma_semaphore, #tpu.memory_space<semaphore_mem>>) src(%arg9 : memref<128x128xf32, #tpu.memory_space<vmem>>) dst(%dma_wait3A_80 : memref<10240x128xf32, #tpu.memory_space<vmem_shared>>)
        tpu.yield
      }) : () -> ()
    }
    %scan3A_7 = arith.constant 80 : i32
    %barrier3A_8 = arith.constant 0 : index
    tpu.barrier barrier_id(%barrier3A_8)
    %eq3A_9 = arith.constant 0 : i32
    %eq3A_10 = arith.cmpi eq, %arg1, %eq3A_9 : i32
    %convert_element_type3A_11 = arith.extui %eq3A_10 : i1 to i32
    %cond3A_12 = arith.constant 0 : i32
    %cond3A_13 = arith.cmpi ne, %convert_element_type3A_11, %cond3A_12 : i32
    scf.if %cond3A_13 {
      "tpu.region"() ({
        %run_scoped3A = tpu.sem_alloc : memref<!tpu.dma_semaphore, #tpu.memory_space<semaphore_mem>>
        %dma_start3A = arith.constant 0 : i32
        %dma_start3A_14 = arith.constant 0 : i32
        %dma_start3A_15 = tpu.memref_slice %arg6[%arg0, %dma_start3A, %dma_start3A_14] : memref<2x10240x128xf32, #tpu.memory_space<hbm>> -> memref<1x10240x128xf32, #tpu.memory_space<hbm>>
        %dma_start3A_16 = tpu.memref_squeeze %dma_start3A_15 : memref<1x10240x128xf32, #tpu.memory_space<hbm>> -> memref<10240x128xf32, #tpu.memory_space<hbm>>
        tpu.enqueue_dma source(%arg11 : memref<10240x128xf32, #tpu.memory_space<vmem_shared>>) target(%dma_start3A_16 : memref<10240x128xf32, #tpu.memory_space<hbm>>) target_semaphore(%run_scoped3A : memref<!tpu.dma_semaphore, #tpu.memory_space<semaphore_mem>>)
        %dma_wait3A = arith.constant 0 : i32
        %dma_wait3A_17 = arith.constant 0 : i32
        %dma_wait3A_18 = tpu.memref_slice %arg6[%arg0, %dma_wait3A, %dma_wait3A_17] : memref<2x10240x128xf32, #tpu.memory_space<hbm>> -> memref<1x10240x128xf32, #tpu.memory_space<hbm>>
        %dma_wait3A_19 = tpu.memref_squeeze %dma_wait3A_18 : memref<1x10240x128xf32, #tpu.memory_space<hbm>> -> memref<10240x128xf32, #tpu.memory_space<hbm>>
        tpu.wait_dma2 semaphore(%run_scoped3A : memref<!tpu.dma_semaphore, #tpu.memory_space<semaphore_mem>>) src(%arg11 : memref<10240x128xf32, #tpu.memory_space<vmem_shared>>) dst(%dma_wait3A_19 : memref<10240x128xf32, #tpu.memory_space<hbm>>)
        tpu.yield
      }) : () -> ()
    } else {
    }
    return
  }
}

#map = affine_map<(d0, d1) -> (0, 0)>
#map1 = affine_map<(d0, d1) -> (0, 0, 0)>
module attributes {stable_mosaic.version = 14 : i64} {
  func.func @cnt(%arg0: i32, %arg1: i32, %arg2: memref<128x128xf32, #tpu.memory_space<hbm>>, %arg3: memref<32x80x128xi32, #tpu.memory_space<hbm>>, %arg4: memref<10240x128xf32, #tpu.memory_space<hbm>>, %arg5: memref<2x10240x128xf32, #tpu.memory_space<hbm>>, %arg6: memref<80x128xi32, #tpu.memory_space<vmem>>, %arg7: memref<128x128xf32, #tpu.memory_space<vmem>>, %arg8: memref<128xi32, #tpu.memory_space<vmem>>, %arg9: memref<10240x128xf32, #tpu.memory_space<vmem_shared>>) attributes {dimension_semantics = [#tpu.dimension_semantics<core_parallel>, #tpu.dimension_semantics<subcore_parallel>], iteration_bounds = array<i64: 2, 16>, scalar_prefetch = 0 : i64, scratch_operands = 4 : i64, tpu.core_type = #tpu.core_type<sc_vector_subcore>, window_params = [{transform_indices = #map}, {transform_indices = #map1}, {transform_indices = #map}, {transform_indices = #map1}]} {
    %mul3A = arith.constant 16 : i32
    %mul3A_0 = arith.muli %arg0, %mul3A : i32
    %add3A = arith.addi %mul3A_0, %arg1 : i32
    "tpu.region"() ({
      %run_scoped3A = tpu.sem_alloc : memref<!tpu.dma_semaphore, #tpu.memory_space<semaphore_mem>>
      %dma_start3A = arith.constant 0 : i32
      %dma_start3A_14 = arith.constant 0 : i32
      %dma_start3A_15 = tpu.memref_slice %arg3[%add3A, %dma_start3A, %dma_start3A_14] : memref<32x80x128xi32, #tpu.memory_space<hbm>> -> memref<1x80x128xi32, #tpu.memory_space<hbm>>
      %dma_start3A_16 = tpu.memref_squeeze %dma_start3A_15 : memref<1x80x128xi32, #tpu.memory_space<hbm>> -> memref<80x128xi32, #tpu.memory_space<hbm>>
      %dma_start3A_17 = arith.constant 0 : i32
      %dma_start3A_18 = arith.constant 0 : i32
      %dma_start3A_19 = tpu.memref_slice %arg3[%add3A, %dma_start3A_17, %dma_start3A_18] : memref<32x80x128xi32, #tpu.memory_space<hbm>> -> memref<1x80x128xi32, #tpu.memory_space<hbm>>
      %dma_start3A_20 = tpu.memref_squeeze %dma_start3A_19 : memref<1x80x128xi32, #tpu.memory_space<hbm>> -> memref<80x128xi32, #tpu.memory_space<hbm>>
      tpu.enqueue_dma source(%dma_start3A_20 : memref<80x128xi32, #tpu.memory_space<hbm>>) target(%arg6 : memref<80x128xi32, #tpu.memory_space<vmem>>) target_semaphore(%run_scoped3A : memref<!tpu.dma_semaphore, #tpu.memory_space<semaphore_mem>>)
      %dma_wait3A = arith.constant 0 : i32
      %dma_wait3A_21 = arith.constant 0 : i32
      %dma_wait3A_22 = tpu.memref_slice %arg3[%add3A, %dma_wait3A, %dma_wait3A_21] : memref<32x80x128xi32, #tpu.memory_space<hbm>> -> memref<1x80x128xi32, #tpu.memory_space<hbm>>
      %dma_wait3A_23 = tpu.memref_squeeze %dma_wait3A_22 : memref<1x80x128xi32, #tpu.memory_space<hbm>> -> memref<80x128xi32, #tpu.memory_space<hbm>>
      %dma_wait3A_24 = arith.constant 0 : i32
      %dma_wait3A_25 = arith.constant 0 : i32
      %dma_wait3A_26 = tpu.memref_slice %arg3[%add3A, %dma_wait3A_24, %dma_wait3A_25] : memref<32x80x128xi32, #tpu.memory_space<hbm>> -> memref<1x80x128xi32, #tpu.memory_space<hbm>>
      %dma_wait3A_27 = tpu.memref_squeeze %dma_wait3A_26 : memref<1x80x128xi32, #tpu.memory_space<hbm>> -> memref<80x128xi32, #tpu.memory_space<hbm>>
      tpu.wait_dma2 semaphore(%run_scoped3A : memref<!tpu.dma_semaphore, #tpu.memory_space<semaphore_mem>>) src(%dma_wait3A_27 : memref<80x128xi32, #tpu.memory_space<hbm>>) dst(%arg6 : memref<80x128xi32, #tpu.memory_space<vmem>>)
      tpu.yield
    }) : () -> ()
    "tpu.region"() ({
      %run_scoped3A = tpu.sem_alloc : memref<!tpu.dma_semaphore, #tpu.memory_space<semaphore_mem>>
      tpu.enqueue_dma source(%arg2 : memref<128x128xf32, #tpu.memory_space<hbm>>) target(%arg7 : memref<128x128xf32, #tpu.memory_space<vmem>>) target_semaphore(%run_scoped3A : memref<!tpu.dma_semaphore, #tpu.memory_space<semaphore_mem>>)
      tpu.wait_dma2 semaphore(%run_scoped3A : memref<!tpu.dma_semaphore, #tpu.memory_space<semaphore_mem>>) src(%arg2 : memref<128x128xf32, #tpu.memory_space<hbm>>) dst(%arg7 : memref<128x128xf32, #tpu.memory_space<vmem>>)
      tpu.yield
    }) : () -> ()
    %eq3A = arith.constant 0 : i32
    %eq3A_1 = arith.cmpi eq, %arg1, %eq3A : i32
    %convert_element_type3A = arith.extui %eq3A_1 : i1 to i32
    %cond3A = arith.constant 0 : i32
    %cond3A_2 = arith.cmpi ne, %convert_element_type3A, %cond3A : i32
    scf.if %cond3A_2 {
      "tpu.region"() ({
        %run_scoped3A = tpu.sem_alloc : memref<!tpu.dma_semaphore, #tpu.memory_space<semaphore_mem>>
        tpu.enqueue_dma source(%arg4 : memref<10240x128xf32, #tpu.memory_space<hbm>>) target(%arg9 : memref<10240x128xf32, #tpu.memory_space<vmem_shared>>) target_semaphore(%run_scoped3A : memref<!tpu.dma_semaphore, #tpu.memory_space<semaphore_mem>>)
        tpu.wait_dma2 semaphore(%run_scoped3A : memref<!tpu.dma_semaphore, #tpu.memory_space<semaphore_mem>>) src(%arg4 : memref<10240x128xf32, #tpu.memory_space<hbm>>) dst(%arg9 : memref<10240x128xf32, #tpu.memory_space<vmem_shared>>)
        tpu.yield
      }) : () -> ()
    } else {
    }
    %barrier3A = arith.constant 0 : index
    tpu.barrier barrier_id(%barrier3A)
    %scan3A = arith.constant 0 : i32
    %scan3A_3 = arith.constant 0 : i32
    %scan3A_4 = arith.constant 80 : i32
    %scan3A_5 = arith.addi %scan3A_3, %scan3A_4 : i32
    %scan3A_6 = arith.constant 1 : i32
    scf.for %scan3A_14 = %scan3A_3 to %scan3A_5 step %scan3A_6  : i32 {
      %get3A = arith.index_cast %scan3A_14 : i32 to index
      %get3A_15 = arith.constant 0 : index
      %get3A_16 = tpu.vector_load %arg6[%get3A, %get3A_15] {strides = array<i32>} : memref<80x128xi32, #tpu.memory_space<vmem>>, vector<1x16xi32>,
      %get3A_17 = vector.shape_cast %get3A_16 : vector<1x16xi32> to vector<16xi32>
      %swap3A = arith.constant 0 : index
      %swap3A_18 = tpu.vector_load %arg8[%swap3A] {strides = array<i32>} : memref<128xi32, #tpu.memory_space<vmem>>, vector<16xi32>,
      %swap3A_19 = vector.shape_cast %swap3A_18 : vector<16xi32> to vector<16xi32>
      %swap3A_20 = vector.shape_cast %get3A_17 : vector<16xi32> to vector<16xi32>
      tpu.vector_store %arg8[%swap3A], %swap3A_20 {strides = array<i32>} : memref<128xi32, #tpu.memory_space<vmem>>, vector<16xi32>,
      %get3A_21 = arith.index_cast %scan3A_14 : i32 to index
      %get3A_22 = arith.constant 16 : index
      %get3A_23 = tpu.vector_load %arg6[%get3A_21, %get3A_22] {strides = array<i32>} : memref<80x128xi32, #tpu.memory_space<vmem>>, vector<1x16xi32>,
      %get3A_24 = vector.shape_cast %get3A_23 : vector<1x16xi32> to vector<16xi32>
      %swap3A_25 = arith.constant 16 : index
      %swap3A_26 = tpu.vector_load %arg8[%swap3A_25] {strides = array<i32>} : memref<128xi32, #tpu.memory_space<vmem>>, vector<16xi32>,
      %swap3A_27 = vector.shape_cast %swap3A_26 : vector<16xi32> to vector<16xi32>
      %swap3A_28 = vector.shape_cast %get3A_24 : vector<16xi32> to vector<16xi32>
      tpu.vector_store %arg8[%swap3A_25], %swap3A_28 {strides = array<i32>} : memref<128xi32, #tpu.memory_space<vmem>>, vector<16xi32>,
      %get3A_29 = arith.index_cast %scan3A_14 : i32 to index
      %get3A_30 = arith.constant 32 : index
      %get3A_31 = tpu.vector_load %arg6[%get3A_29, %get3A_30] {strides = array<i32>} : memref<80x128xi32, #tpu.memory_space<vmem>>, vector<1x16xi32>,
      %get3A_32 = vector.shape_cast %get3A_31 : vector<1x16xi32> to vector<16xi32>
      %swap3A_33 = arith.constant 32 : index
      %swap3A_34 = tpu.vector_load %arg8[%swap3A_33] {strides = array<i32>} : memref<128xi32, #tpu.memory_space<vmem>>, vector<16xi32>,
      %swap3A_35 = vector.shape_cast %swap3A_34 : vector<16xi32> to vector<16xi32>
      %swap3A_36 = vector.shape_cast %get3A_32 : vector<16xi32> to vector<16xi32>
      tpu.vector_store %arg8[%swap3A_33], %swap3A_36 {strides = array<i32>} : memref<128xi32, #tpu.memory_space<vmem>>, vector<16xi32>,
      %get3A_37 = arith.index_cast %scan3A_14 : i32 to index
      %get3A_38 = arith.constant 48 : index
      %get3A_39 = tpu.vector_load %arg6[%get3A_37, %get3A_38] {strides = array<i32>} : memref<80x128xi32, #tpu.memory_space<vmem>>, vector<1x16xi32>,
      %get3A_40 = vector.shape_cast %get3A_39 : vector<1x16xi32> to vector<16xi32>
      %swap3A_41 = arith.constant 48 : index
      %swap3A_42 = tpu.vector_load %arg8[%swap3A_41] {strides = array<i32>} : memref<128xi32, #tpu.memory_space<vmem>>, vector<16xi32>,
      %swap3A_43 = vector.shape_cast %swap3A_42 : vector<16xi32> to vector<16xi32>
      %swap3A_44 = vector.shape_cast %get3A_40 : vector<16xi32> to vector<16xi32>
      tpu.vector_store %arg8[%swap3A_41], %swap3A_44 {strides = array<i32>} : memref<128xi32, #tpu.memory_space<vmem>>, vector<16xi32>,
      %get3A_45 = arith.index_cast %scan3A_14 : i32 to index
      %get3A_46 = arith.constant 64 : index
      %get3A_47 = tpu.vector_load %arg6[%get3A_45, %get3A_46] {strides = array<i32>} : memref<80x128xi32, #tpu.memory_space<vmem>>, vector<1x16xi32>,
      %get3A_48 = vector.shape_cast %get3A_47 : vector<1x16xi32> to vector<16xi32>
      %swap3A_49 = arith.constant 64 : index
      %swap3A_50 = tpu.vector_load %arg8[%swap3A_49] {strides = array<i32>} : memref<128xi32, #tpu.memory_space<vmem>>, vector<16xi32>,
      %swap3A_51 = vector.shape_cast %swap3A_50 : vector<16xi32> to vector<16xi32>
      %swap3A_52 = vector.shape_cast %get3A_48 : vector<16xi32> to vector<16xi32>
      tpu.vector_store %arg8[%swap3A_49], %swap3A_52 {strides = array<i32>} : memref<128xi32, #tpu.memory_space<vmem>>, vector<16xi32>,
      %get3A_53 = arith.index_cast %scan3A_14 : i32 to index
      %get3A_54 = arith.constant 80 : index
      %get3A_55 = tpu.vector_load %arg6[%get3A_53, %get3A_54] {strides = array<i32>} : memref<80x128xi32, #tpu.memory_space<vmem>>, vector<1x16xi32>,
      %get3A_56 = vector.shape_cast %get3A_55 : vector<1x16xi32> to vector<16xi32>
      %swap3A_57 = arith.constant 80 : index
      %swap3A_58 = tpu.vector_load %arg8[%swap3A_57] {strides = array<i32>} : memref<128xi32, #tpu.memory_space<vmem>>, vector<16xi32>,
      %swap3A_59 = vector.shape_cast %swap3A_58 : vector<16xi32> to vector<16xi32>
      %swap3A_60 = vector.shape_cast %get3A_56 : vector<16xi32> to vector<16xi32>
      tpu.vector_store %arg8[%swap3A_57], %swap3A_60 {strides = array<i32>} : memref<128xi32, #tpu.memory_space<vmem>>, vector<16xi32>,
      %get3A_61 = arith.index_cast %scan3A_14 : i32 to index
      %get3A_62 = arith.constant 96 : index
      %get3A_63 = tpu.vector_load %arg6[%get3A_61, %get3A_62] {strides = array<i32>} : memref<80x128xi32, #tpu.memory_space<vmem>>, vector<1x16xi32>,
      %get3A_64 = vector.shape_cast %get3A_63 : vector<1x16xi32> to vector<16xi32>
      %swap3A_65 = arith.constant 96 : index
      %swap3A_66 = tpu.vector_load %arg8[%swap3A_65] {strides = array<i32>} : memref<128xi32, #tpu.memory_space<vmem>>, vector<16xi32>,
      %swap3A_67 = vector.shape_cast %swap3A_66 : vector<16xi32> to vector<16xi32>
      %swap3A_68 = vector.shape_cast %get3A_64 : vector<16xi32> to vector<16xi32>
      tpu.vector_store %arg8[%swap3A_65], %swap3A_68 {strides = array<i32>} : memref<128xi32, #tpu.memory_space<vmem>>, vector<16xi32>,
      %get3A_69 = arith.index_cast %scan3A_14 : i32 to index
      %get3A_70 = arith.constant 112 : index
      %get3A_71 = tpu.vector_load %arg6[%get3A_69, %get3A_70] {strides = array<i32>} : memref<80x128xi32, #tpu.memory_space<vmem>>, vector<1x16xi32>,
      %get3A_72 = vector.shape_cast %get3A_71 : vector<1x16xi32> to vector<16xi32>
      %swap3A_73 = arith.constant 112 : index
      %swap3A_74 = tpu.vector_load %arg8[%swap3A_73] {strides = array<i32>} : memref<128xi32, #tpu.memory_space<vmem>>, vector<16xi32>,
      %swap3A_75 = vector.shape_cast %swap3A_74 : vector<16xi32> to vector<16xi32>
      %swap3A_76 = vector.shape_cast %get3A_72 : vector<16xi32> to vector<16xi32>
      tpu.vector_store %arg8[%swap3A_73], %swap3A_76 {strides = array<i32>} : memref<128xi32, #tpu.memory_space<vmem>>, vector<16xi32>,
      "tpu.region"() ({
        %run_scoped3A = tpu.sem_alloc : memref<!tpu.dma_semaphore, #tpu.memory_space<semaphore_mem>>
        %dma_start3A = arith.constant 0 : i32
        %dma_start3A_77 = arith.constant 0 : i32
        %dma_start3A_78 = tpu.memref_slice %arg9[%dma_start3A, %dma_start3A_77] : memref<10240x128xf32, #tpu.memory_space<vmem_shared>> -> memref<10240x128xf32, #tpu.memory_space<vmem_shared>>
        tpu.enqueue_indirect_dma source(%arg7 : memref<128x128xf32, #tpu.memory_space<vmem>>) target(%dma_start3A_78 : memref<10240x128xf32, #tpu.memory_space<vmem_shared>>) offsets(%arg8 : memref<128xi32, #tpu.memory_space<vmem>>) semaphore(%run_scoped3A : memref<!tpu.dma_semaphore, #tpu.memory_space<semaphore_mem>>) {add = true}
        %dma_wait3A = arith.constant 0 : i32
        %dma_wait3A_79 = arith.constant 0 : i32
        %dma_wait3A_80 = tpu.memref_slice %arg9[%dma_wait3A, %dma_wait3A_79] : memref<10240x128xf32, #tpu.memory_space<vmem_shared>> -> memref<10240x128xf32, #tpu.memory_space<vmem_shared>>
        tpu.wait_indirect_dma semaphore(%run_scoped3A : memref<!tpu.dma_semaphore, #tpu.memory_space<semaphore_mem>>) src(%arg7 : memref<128x128xf32, #tpu.memory_space<vmem>>) dst(%dma_wait3A_80 : memref<10240x128xf32, #tpu.memory_space<vmem_shared>>)
        tpu.yield
      }) : () -> ()
    }
    %scan3A_7 = arith.constant 80 : i32
    %barrier3A_8 = arith.constant 0 : index
    tpu.barrier barrier_id(%barrier3A_8)
    %eq3A_9 = arith.constant 0 : i32
    %eq3A_10 = arith.cmpi eq, %arg1, %eq3A_9 : i32
    %convert_element_type3A_11 = arith.extui %eq3A_10 : i1 to i32
    %cond3A_12 = arith.constant 0 : i32
    %cond3A_13 = arith.cmpi ne, %convert_element_type3A_11, %cond3A_12 : i32
    scf.if %cond3A_13 {
      "tpu.region"() ({
        %run_scoped3A = tpu.sem_alloc : memref<!tpu.dma_semaphore, #tpu.memory_space<semaphore_mem>>
        %dma_start3A = arith.constant 0 : i32
        %dma_start3A_14 = arith.constant 0 : i32
        %dma_start3A_15 = tpu.memref_slice %arg5[%arg0, %dma_start3A, %dma_start3A_14] : memref<2x10240x128xf32, #tpu.memory_space<hbm>> -> memref<1x10240x128xf32, #tpu.memory_space<hbm>>
        %dma_start3A_16 = tpu.memref_squeeze %dma_start3A_15 : memref<1x10240x128xf32, #tpu.memory_space<hbm>> -> memref<10240x128xf32, #tpu.memory_space<hbm>>
        tpu.enqueue_dma source(%arg9 : memref<10240x128xf32, #tpu.memory_space<vmem_shared>>) target(%dma_start3A_16 : memref<10240x128xf32, #tpu.memory_space<hbm>>) target_semaphore(%run_scoped3A : memref<!tpu.dma_semaphore, #tpu.memory_space<semaphore_mem>>)
        %dma_wait3A = arith.constant 0 : i32
        %dma_wait3A_17 = arith.constant 0 : i32
        %dma_wait3A_18 = tpu.memref_slice %arg5[%arg0, %dma_wait3A, %dma_wait3A_17] : memref<2x10240x128xf32, #tpu.memory_space<hbm>> -> memref<1x10240x128xf32, #tpu.memory_space<hbm>>
        %dma_wait3A_19 = tpu.memref_squeeze %dma_wait3A_18 : memref<1x10240x128xf32, #tpu.memory_space<hbm>> -> memref<10240x128xf32, #tpu.memory_space<hbm>>
        tpu.wait_dma2 semaphore(%run_scoped3A : memref<!tpu.dma_semaphore, #tpu.memory_space<semaphore_mem>>) src(%arg9 : memref<10240x128xf32, #tpu.memory_space<vmem_shared>>) dst(%dma_wait3A_19 : memref<10240x128xf32, #tpu.memory_space<hbm>>)
        tpu.yield
      }) : () -> ()
    } else {
    }
    return
  }
}

#map = affine_map<(d0, d1) -> (0, 0)>
#map1 = affine_map<(d0, d1) -> (0, 0, 0)>
module attributes {stable_mosaic.version = 14 : i64} {
  func.func @agg(%arg0: i32, %arg1: i32, %arg2: memref<10240x128xf32, #tpu.memory_space<hbm>>, %arg3: memref<32x80x128xi32, #tpu.memory_space<hbm>>, %arg4: memref<32x80x128xi32, #tpu.memory_space<hbm>>, %arg5: memref<10240x128xf32, #tpu.memory_space<hbm>>, %arg6: memref<2x10240x128xf32, #tpu.memory_space<hbm>>, %arg7: memref<80x128xi32, #tpu.memory_space<vmem>>, %arg8: memref<80x128xi32, #tpu.memory_space<vmem>>, %arg9: memref<128x128xf32, #tpu.memory_space<vmem>>, %arg10: memref<128xi32, #tpu.memory_space<vmem>>, %arg11: memref<10240x128xf32, #tpu.memory_space<vmem_shared>>) attributes {dimension_semantics = [#tpu.dimension_semantics<core_parallel>, #tpu.dimension_semantics<subcore_parallel>], iteration_bounds = array<i64: 2, 16>, scalar_prefetch = 0 : i64, scratch_operands = 5 : i64, tpu.core_type = #tpu.core_type<sc_vector_subcore>, window_params = [{transform_indices = #map}, {transform_indices = #map1}, {transform_indices = #map1}, {transform_indices = #map}, {transform_indices = #map1}]} {
    %mul3A = arith.constant 16 : i32
    %mul3A_0 = arith.muli %arg0, %mul3A : i32
    %add3A = arith.addi %mul3A_0, %arg1 : i32
    "tpu.region"() ({
      %run_scoped3A = tpu.sem_alloc : memref<!tpu.dma_semaphore, #tpu.memory_space<semaphore_mem>>
      %dma_start3A = arith.constant 0 : i32
      %dma_start3A_14 = arith.constant 0 : i32
      %dma_start3A_15 = tpu.memref_slice %arg3[%add3A, %dma_start3A, %dma_start3A_14] : memref<32x80x128xi32, #tpu.memory_space<hbm>> -> memref<1x80x128xi32, #tpu.memory_space<hbm>>
      %dma_start3A_16 = tpu.memref_squeeze %dma_start3A_15 : memref<1x80x128xi32, #tpu.memory_space<hbm>> -> memref<80x128xi32, #tpu.memory_space<hbm>>
      %dma_start3A_17 = arith.constant 0 : i32
      %dma_start3A_18 = arith.constant 0 : i32
      %dma_start3A_19 = tpu.memref_slice %arg3[%add3A, %dma_start3A_17, %dma_start3A_18] : memref<32x80x128xi32, #tpu.memory_space<hbm>> -> memref<1x80x128xi32, #tpu.memory_space<hbm>>
      %dma_start3A_20 = tpu.memref_squeeze %dma_start3A_19 : memref<1x80x128xi32, #tpu.memory_space<hbm>> -> memref<80x128xi32, #tpu.memory_space<hbm>>
      tpu.enqueue_dma source(%dma_start3A_20 : memref<80x128xi32, #tpu.memory_space<hbm>>) target(%arg7 : memref<80x128xi32, #tpu.memory_space<vmem>>) target_semaphore(%run_scoped3A : memref<!tpu.dma_semaphore, #tpu.memory_space<semaphore_mem>>)
      %dma_wait3A = arith.constant 0 : i32
      %dma_wait3A_21 = arith.constant 0 : i32
      %dma_wait3A_22 = tpu.memref_slice %arg3[%add3A, %dma_wait3A, %dma_wait3A_21] : memref<32x80x128xi32, #tpu.memory_space<hbm>> -> memref<1x80x128xi32, #tpu.memory_space<hbm>>
      %dma_wait3A_23 = tpu.memref_squeeze %dma_wait3A_22 : memref<1x80x128xi32, #tpu.memory_space<hbm>> -> memref<80x128xi32, #tpu.memory_space<hbm>>
      %dma_wait3A_24 = arith.constant 0 : i32
      %dma_wait3A_25 = arith.constant 0 : i32
      %dma_wait3A_26 = tpu.memref_slice %arg3[%add3A, %dma_wait3A_24, %dma_wait3A_25] : memref<32x80x128xi32, #tpu.memory_space<hbm>> -> memref<1x80x128xi32, #tpu.memory_space<hbm>>
      %dma_wait3A_27 = tpu.memref_squeeze %dma_wait3A_26 : memref<1x80x128xi32, #tpu.memory_space<hbm>> -> memref<80x128xi32, #tpu.memory_space<hbm>>
      tpu.wait_dma2 semaphore(%run_scoped3A : memref<!tpu.dma_semaphore, #tpu.memory_space<semaphore_mem>>) src(%dma_wait3A_27 : memref<80x128xi32, #tpu.memory_space<hbm>>) dst(%arg7 : memref<80x128xi32, #tpu.memory_space<vmem>>)
      tpu.yield
    }) : () -> ()
    "tpu.region"() ({
      %run_scoped3A = tpu.sem_alloc : memref<!tpu.dma_semaphore, #tpu.memory_space<semaphore_mem>>
      %dma_start3A = arith.constant 0 : i32
      %dma_start3A_14 = arith.constant 0 : i32
      %dma_start3A_15 = tpu.memref_slice %arg4[%add3A, %dma_start3A, %dma_start3A_14] : memref<32x80x128xi32, #tpu.memory_space<hbm>> -> memref<1x80x128xi32, #tpu.memory_space<hbm>>
      %dma_start3A_16 = tpu.memref_squeeze %dma_start3A_15 : memref<1x80x128xi32, #tpu.memory_space<hbm>> -> memref<80x128xi32, #tpu.memory_space<hbm>>
      %dma_start3A_17 = arith.constant 0 : i32
      %dma_start3A_18 = arith.constant 0 : i32
      %dma_start3A_19 = tpu.memref_slice %arg4[%add3A, %dma_start3A_17, %dma_start3A_18] : memref<32x80x128xi32, #tpu.memory_space<hbm>> -> memref<1x80x128xi32, #tpu.memory_space<hbm>>
      %dma_start3A_20 = tpu.memref_squeeze %dma_start3A_19 : memref<1x80x128xi32, #tpu.memory_space<hbm>> -> memref<80x128xi32, #tpu.memory_space<hbm>>
      tpu.enqueue_dma source(%dma_start3A_20 : memref<80x128xi32, #tpu.memory_space<hbm>>) target(%arg8 : memref<80x128xi32, #tpu.memory_space<vmem>>) target_semaphore(%run_scoped3A : memref<!tpu.dma_semaphore, #tpu.memory_space<semaphore_mem>>)
      %dma_wait3A = arith.constant 0 : i32
      %dma_wait3A_21 = arith.constant 0 : i32
      %dma_wait3A_22 = tpu.memref_slice %arg4[%add3A, %dma_wait3A, %dma_wait3A_21] : memref<32x80x128xi32, #tpu.memory_space<hbm>> -> memref<1x80x128xi32, #tpu.memory_space<hbm>>
      %dma_wait3A_23 = tpu.memref_squeeze %dma_wait3A_22 : memref<1x80x128xi32, #tpu.memory_space<hbm>> -> memref<80x128xi32, #tpu.memory_space<hbm>>
      %dma_wait3A_24 = arith.constant 0 : i32
      %dma_wait3A_25 = arith.constant 0 : i32
      %dma_wait3A_26 = tpu.memref_slice %arg4[%add3A, %dma_wait3A_24, %dma_wait3A_25] : memref<32x80x128xi32, #tpu.memory_space<hbm>> -> memref<1x80x128xi32, #tpu.memory_space<hbm>>
      %dma_wait3A_27 = tpu.memref_squeeze %dma_wait3A_26 : memref<1x80x128xi32, #tpu.memory_space<hbm>> -> memref<80x128xi32, #tpu.memory_space<hbm>>
      tpu.wait_dma2 semaphore(%run_scoped3A : memref<!tpu.dma_semaphore, #tpu.memory_space<semaphore_mem>>) src(%dma_wait3A_27 : memref<80x128xi32, #tpu.memory_space<hbm>>) dst(%arg8 : memref<80x128xi32, #tpu.memory_space<vmem>>)
      tpu.yield
    }) : () -> ()
    %eq3A = arith.constant 0 : i32
    %eq3A_1 = arith.cmpi eq, %arg1, %eq3A : i32
    %convert_element_type3A = arith.extui %eq3A_1 : i1 to i32
    %cond3A = arith.constant 0 : i32
    %cond3A_2 = arith.cmpi ne, %convert_element_type3A, %cond3A : i32
    scf.if %cond3A_2 {
      "tpu.region"() ({
        %run_scoped3A = tpu.sem_alloc : memref<!tpu.dma_semaphore, #tpu.memory_space<semaphore_mem>>
        tpu.enqueue_dma source(%arg5 : memref<10240x128xf32, #tpu.memory_space<hbm>>) target(%arg11 : memref<10240x128xf32, #tpu.memory_space<vmem_shared>>) target_semaphore(%run_scoped3A : memref<!tpu.dma_semaphore, #tpu.memory_space<semaphore_mem>>)
        tpu.wait_dma2 semaphore(%run_scoped3A : memref<!tpu.dma_semaphore, #tpu.memory_space<semaphore_mem>>) src(%arg5 : memref<10240x128xf32, #tpu.memory_space<hbm>>) dst(%arg11 : memref<10240x128xf32, #tpu.memory_space<vmem_shared>>)
        tpu.yield
      }) : () -> ()
    } else {
    }
    %barrier3A = arith.constant 0 : index
    tpu.barrier barrier_id(%barrier3A)
    %scan3A = arith.constant 0 : i32
    %scan3A_3 = arith.constant 0 : i32
    %scan3A_4 = arith.constant 80 : i32
    %scan3A_5 = arith.addi %scan3A_3, %scan3A_4 : i32
    %scan3A_6 = arith.constant 1 : i32
    scf.for %scan3A_14 = %scan3A_3 to %scan3A_5 step %scan3A_6  : i32 {
      "tpu.region"() ({
        %run_scoped3A = tpu.sem_alloc : memref<!tpu.dma_semaphore, #tpu.memory_space<semaphore_mem>>
        %dma_start3A = arith.constant 0 : i32
        %dma_start3A_77 = tpu.memref_slice %arg7[%scan3A_14, %dma_start3A] : memref<80x128xi32, #tpu.memory_space<vmem>> -> memref<1x128xi32, #tpu.memory_space<vmem>>
        %dma_start3A_78 = tpu.memref_squeeze %dma_start3A_77 : memref<1x128xi32, #tpu.memory_space<vmem>> -> memref<128xi32, #tpu.memory_space<vmem>>
        %dma_start3A_79 = arith.constant 0 : i32
        %dma_start3A_80 = arith.constant 0 : i32
        %dma_start3A_81 = tpu.memref_slice %arg2[%dma_start3A_79, %dma_start3A_80] : memref<10240x128xf32, #tpu.memory_space<hbm>> -> memref<10240x128xf32, #tpu.memory_space<hbm>>
        tpu.enqueue_indirect_dma source(%dma_start3A_81 : memref<10240x128xf32, #tpu.memory_space<hbm>>) target(%arg9 : memref<128x128xf32, #tpu.memory_space<vmem>>) offsets(%dma_start3A_78 : memref<128xi32, #tpu.memory_space<vmem>>) semaphore(%run_scoped3A : memref<!tpu.dma_semaphore, #tpu.memory_space<semaphore_mem>>)
        %dma_wait3A = arith.constant 0 : i32
        %dma_wait3A_82 = tpu.memref_slice %arg7[%scan3A_14, %dma_wait3A] : memref<80x128xi32, #tpu.memory_space<vmem>> -> memref<1x128xi32, #tpu.memory_space<vmem>>
        %dma_wait3A_83 = tpu.memref_squeeze %dma_wait3A_82 : memref<1x128xi32, #tpu.memory_space<vmem>> -> memref<128xi32, #tpu.memory_space<vmem>>
        %dma_wait3A_84 = arith.constant 0 : i32
        %dma_wait3A_85 = arith.constant 0 : i32
        %dma_wait3A_86 = tpu.memref_slice %arg2[%dma_wait3A_84, %dma_wait3A_85] : memref<10240x128xf32, #tpu.memory_space<hbm>> -> memref<10240x128xf32, #tpu.memory_space<hbm>>
        tpu.wait_indirect_dma semaphore(%run_scoped3A : memref<!tpu.dma_semaphore, #tpu.memory_space<semaphore_mem>>) src(%dma_wait3A_86 : memref<10240x128xf32, #tpu.memory_space<hbm>>) dst(%arg9 : memref<128x128xf32, #tpu.memory_space<vmem>>)
        tpu.yield
      }) : () -> ()
      %get3A = arith.index_cast %scan3A_14 : i32 to index
      %get3A_15 = arith.constant 0 : index
      %get3A_16 = tpu.vector_load %arg8[%get3A, %get3A_15] {strides = array<i32>} : memref<80x128xi32, #tpu.memory_space<vmem>>, vector<1x16xi32>,
      %get3A_17 = vector.shape_cast %get3A_16 : vector<1x16xi32> to vector<16xi32>
      %swap3A = arith.constant 0 : index
      %swap3A_18 = tpu.vector_load %arg10[%swap3A] {strides = array<i32>} : memref<128xi32, #tpu.memory_space<vmem>>, vector<16xi32>,
      %swap3A_19 = vector.shape_cast %swap3A_18 : vector<16xi32> to vector<16xi32>
      %swap3A_20 = vector.shape_cast %get3A_17 : vector<16xi32> to vector<16xi32>
      tpu.vector_store %arg10[%swap3A], %swap3A_20 {strides = array<i32>} : memref<128xi32, #tpu.memory_space<vmem>>, vector<16xi32>,
      %get3A_21 = arith.index_cast %scan3A_14 : i32 to index
      %get3A_22 = arith.constant 16 : index
      %get3A_23 = tpu.vector_load %arg8[%get3A_21, %get3A_22] {strides = array<i32>} : memref<80x128xi32, #tpu.memory_space<vmem>>, vector<1x16xi32>,
      %get3A_24 = vector.shape_cast %get3A_23 : vector<1x16xi32> to vector<16xi32>
      %swap3A_25 = arith.constant 16 : index
      %swap3A_26 = tpu.vector_load %arg10[%swap3A_25] {strides = array<i32>} : memref<128xi32, #tpu.memory_space<vmem>>, vector<16xi32>,
      %swap3A_27 = vector.shape_cast %swap3A_26 : vector<16xi32> to vector<16xi32>
      %swap3A_28 = vector.shape_cast %get3A_24 : vector<16xi32> to vector<16xi32>
      tpu.vector_store %arg10[%swap3A_25], %swap3A_28 {strides = array<i32>} : memref<128xi32, #tpu.memory_space<vmem>>, vector<16xi32>,
      %get3A_29 = arith.index_cast %scan3A_14 : i32 to index
      %get3A_30 = arith.constant 32 : index
      %get3A_31 = tpu.vector_load %arg8[%get3A_29, %get3A_30] {strides = array<i32>} : memref<80x128xi32, #tpu.memory_space<vmem>>, vector<1x16xi32>,
      %get3A_32 = vector.shape_cast %get3A_31 : vector<1x16xi32> to vector<16xi32>
      %swap3A_33 = arith.constant 32 : index
      %swap3A_34 = tpu.vector_load %arg10[%swap3A_33] {strides = array<i32>} : memref<128xi32, #tpu.memory_space<vmem>>, vector<16xi32>,
      %swap3A_35 = vector.shape_cast %swap3A_34 : vector<16xi32> to vector<16xi32>
      %swap3A_36 = vector.shape_cast %get3A_32 : vector<16xi32> to vector<16xi32>
      tpu.vector_store %arg10[%swap3A_33], %swap3A_36 {strides = array<i32>} : memref<128xi32, #tpu.memory_space<vmem>>, vector<16xi32>,
      %get3A_37 = arith.index_cast %scan3A_14 : i32 to index
      %get3A_38 = arith.constant 48 : index
      %get3A_39 = tpu.vector_load %arg8[%get3A_37, %get3A_38] {strides = array<i32>} : memref<80x128xi32, #tpu.memory_space<vmem>>, vector<1x16xi32>,
      %get3A_40 = vector.shape_cast %get3A_39 : vector<1x16xi32> to vector<16xi32>
      %swap3A_41 = arith.constant 48 : index
      %swap3A_42 = tpu.vector_load %arg10[%swap3A_41] {strides = array<i32>} : memref<128xi32, #tpu.memory_space<vmem>>, vector<16xi32>,
      %swap3A_43 = vector.shape_cast %swap3A_42 : vector<16xi32> to vector<16xi32>
      %swap3A_44 = vector.shape_cast %get3A_40 : vector<16xi32> to vector<16xi32>
      tpu.vector_store %arg10[%swap3A_41], %swap3A_44 {strides = array<i32>} : memref<128xi32, #tpu.memory_space<vmem>>, vector<16xi32>,
      %get3A_45 = arith.index_cast %scan3A_14 : i32 to index
      %get3A_46 = arith.constant 64 : index
      %get3A_47 = tpu.vector_load %arg8[%get3A_45, %get3A_46] {strides = array<i32>} : memref<80x128xi32, #tpu.memory_space<vmem>>, vector<1x16xi32>,
      %get3A_48 = vector.shape_cast %get3A_47 : vector<1x16xi32> to vector<16xi32>
      %swap3A_49 = arith.constant 64 : index
      %swap3A_50 = tpu.vector_load %arg10[%swap3A_49] {strides = array<i32>} : memref<128xi32, #tpu.memory_space<vmem>>, vector<16xi32>,
      %swap3A_51 = vector.shape_cast %swap3A_50 : vector<16xi32> to vector<16xi32>
      %swap3A_52 = vector.shape_cast %get3A_48 : vector<16xi32> to vector<16xi32>
      tpu.vector_store %arg10[%swap3A_49], %swap3A_52 {strides = array<i32>} : memref<128xi32, #tpu.memory_space<vmem>>, vector<16xi32>,
      %get3A_53 = arith.index_cast %scan3A_14 : i32 to index
      %get3A_54 = arith.constant 80 : index
      %get3A_55 = tpu.vector_load %arg8[%get3A_53, %get3A_54] {strides = array<i32>} : memref<80x128xi32, #tpu.memory_space<vmem>>, vector<1x16xi32>,
      %get3A_56 = vector.shape_cast %get3A_55 : vector<1x16xi32> to vector<16xi32>
      %swap3A_57 = arith.constant 80 : index
      %swap3A_58 = tpu.vector_load %arg10[%swap3A_57] {strides = array<i32>} : memref<128xi32, #tpu.memory_space<vmem>>, vector<16xi32>,
      %swap3A_59 = vector.shape_cast %swap3A_58 : vector<16xi32> to vector<16xi32>
      %swap3A_60 = vector.shape_cast %get3A_56 : vector<16xi32> to vector<16xi32>
      tpu.vector_store %arg10[%swap3A_57], %swap3A_60 {strides = array<i32>} : memref<128xi32, #tpu.memory_space<vmem>>, vector<16xi32>,
      %get3A_61 = arith.index_cast %scan3A_14 : i32 to index
      %get3A_62 = arith.constant 96 : index
      %get3A_63 = tpu.vector_load %arg8[%get3A_61, %get3A_62] {strides = array<i32>} : memref<80x128xi32, #tpu.memory_space<vmem>>, vector<1x16xi32>,
      %get3A_64 = vector.shape_cast %get3A_63 : vector<1x16xi32> to vector<16xi32>
      %swap3A_65 = arith.constant 96 : index
      %swap3A_66 = tpu.vector_load %arg10[%swap3A_65] {strides = array<i32>} : memref<128xi32, #tpu.memory_space<vmem>>, vector<16xi32>,
      %swap3A_67 = vector.shape_cast %swap3A_66 : vector<16xi32> to vector<16xi32>
      %swap3A_68 = vector.shape_cast %get3A_64 : vector<16xi32> to vector<16xi32>
      tpu.vector_store %arg10[%swap3A_65], %swap3A_68 {strides = array<i32>} : memref<128xi32, #tpu.memory_space<vmem>>, vector<16xi32>,
      %get3A_69 = arith.index_cast %scan3A_14 : i32 to index
      %get3A_70 = arith.constant 112 : index
      %get3A_71 = tpu.vector_load %arg8[%get3A_69, %get3A_70] {strides = array<i32>} : memref<80x128xi32, #tpu.memory_space<vmem>>, vector<1x16xi32>,
      %get3A_72 = vector.shape_cast %get3A_71 : vector<1x16xi32> to vector<16xi32>
      %swap3A_73 = arith.constant 112 : index
      %swap3A_74 = tpu.vector_load %arg10[%swap3A_73] {strides = array<i32>} : memref<128xi32, #tpu.memory_space<vmem>>, vector<16xi32>,
      %swap3A_75 = vector.shape_cast %swap3A_74 : vector<16xi32> to vector<16xi32>
      %swap3A_76 = vector.shape_cast %get3A_72 : vector<16xi32> to vector<16xi32>
      tpu.vector_store %arg10[%swap3A_73], %swap3A_76 {strides = array<i32>} : memref<128xi32, #tpu.memory_space<vmem>>, vector<16xi32>,
      "tpu.region"() ({
        %run_scoped3A = tpu.sem_alloc : memref<!tpu.dma_semaphore, #tpu.memory_space<semaphore_mem>>
        %dma_start3A = arith.constant 0 : i32
        %dma_start3A_77 = arith.constant 0 : i32
        %dma_start3A_78 = tpu.memref_slice %arg11[%dma_start3A, %dma_start3A_77] : memref<10240x128xf32, #tpu.memory_space<vmem_shared>> -> memref<10240x128xf32, #tpu.memory_space<vmem_shared>>
        tpu.enqueue_indirect_dma source(%arg9 : memref<128x128xf32, #tpu.memory_space<vmem>>) target(%dma_start3A_78 : memref<10240x128xf32, #tpu.memory_space<vmem_shared>>) offsets(%arg10 : memref<128xi32, #tpu.memory_space<vmem>>) semaphore(%run_scoped3A : memref<!tpu.dma_semaphore, #tpu.memory_space<semaphore_mem>>) {add = true}
        %dma_wait3A = arith.constant 0 : i32
        %dma_wait3A_79 = arith.constant 0 : i32
        %dma_wait3A_80 = tpu.memref_slice %arg11[%dma_wait3A, %dma_wait3A_79] : memref<10240x128xf32, #tpu.memory_space<vmem_shared>> -> memref<10240x128xf32, #tpu.memory_space<vmem_shared>>
        tpu.wait_indirect_dma semaphore(%run_scoped3A : memref<!tpu.dma_semaphore, #tpu.memory_space<semaphore_mem>>) src(%arg9 : memref<128x128xf32, #tpu.memory_space<vmem>>) dst(%dma_wait3A_80 : memref<10240x128xf32, #tpu.memory_space<vmem_shared>>)
        tpu.yield
      }) : () -> ()
    }
    %scan3A_7 = arith.constant 80 : i32
    %barrier3A_8 = arith.constant 0 : index
    tpu.barrier barrier_id(%barrier3A_8)
    %eq3A_9 = arith.constant 0 : i32
    %eq3A_10 = arith.cmpi eq, %arg1, %eq3A_9 : i32
    %convert_element_type3A_11 = arith.extui %eq3A_10 : i1 to i32
    %cond3A_12 = arith.constant 0 : i32
    %cond3A_13 = arith.cmpi ne, %convert_element_type3A_11, %cond3A_12 : i32
    scf.if %cond3A_13 {
      "tpu.region"() ({
        %run_scoped3A = tpu.sem_alloc : memref<!tpu.dma_semaphore, #tpu.memory_space<semaphore_mem>>
        %dma_start3A = arith.constant 0 : i32
        %dma_start3A_14 = arith.constant 0 : i32
        %dma_start3A_15 = tpu.memref_slice %arg6[%arg0, %dma_start3A, %dma_start3A_14] : memref<2x10240x128xf32, #tpu.memory_space<hbm>> -> memref<1x10240x128xf32, #tpu.memory_space<hbm>>
        %dma_start3A_16 = tpu.memref_squeeze %dma_start3A_15 : memref<1x10240x128xf32, #tpu.memory_space<hbm>> -> memref<10240x128xf32, #tpu.memory_space<hbm>>
        tpu.enqueue_dma source(%arg11 : memref<10240x128xf32, #tpu.memory_space<vmem_shared>>) target(%dma_start3A_16 : memref<10240x128xf32, #tpu.memory_space<hbm>>) target_semaphore(%run_scoped3A : memref<!tpu.dma_semaphore, #tpu.memory_space<semaphore_mem>>)
        %dma_wait3A = arith.constant 0 : i32
        %dma_wait3A_17 = arith.constant 0 : i32
        %dma_wait3A_18 = tpu.memref_slice %arg6[%arg0, %dma_wait3A, %dma_wait3A_17] : memref<2x10240x128xf32, #tpu.memory_space<hbm>> -> memref<1x10240x128xf32, #tpu.memory_space<hbm>>
        %dma_wait3A_19 = tpu.memref_squeeze %dma_wait3A_18 : memref<1x10240x128xf32, #tpu.memory_space<hbm>> -> memref<10240x128xf32, #tpu.memory_space<hbm>>
        tpu.wait_dma2 semaphore(%run_scoped3A : memref<!tpu.dma_semaphore, #tpu.memory_space<semaphore_mem>>) src(%arg11 : memref<10240x128xf32, #tpu.memory_space<vmem_shared>>) dst(%dma_wait3A_19 : memref<10240x128xf32, #tpu.memory_space<hbm>>)
        tpu.yield
      }) : () -> ()
    } else {
    }
    return
  }
}

#map = affine_map<(d0, d1) -> (0, 0)>
#map1 = affine_map<(d0, d1) -> (0, 0, 0)>
module attributes {stable_mosaic.version = 14 : i64} {
  func.func @agg(%arg0: i32, %arg1: i32, %arg2: memref<10240x128xf32, #tpu.memory_space<hbm>>, %arg3: memref<32x80x128xi32, #tpu.memory_space<hbm>>, %arg4: memref<32x80x128xi32, #tpu.memory_space<hbm>>, %arg5: memref<10240x128xf32, #tpu.memory_space<hbm>>, %arg6: memref<2x10240x128xf32, #tpu.memory_space<hbm>>, %arg7: memref<80x128xi32, #tpu.memory_space<vmem>>, %arg8: memref<80x128xi32, #tpu.memory_space<vmem>>, %arg9: memref<128x128xf32, #tpu.memory_space<vmem>>, %arg10: memref<128xi32, #tpu.memory_space<vmem>>, %arg11: memref<10240x128xf32, #tpu.memory_space<vmem_shared>>) attributes {dimension_semantics = [#tpu.dimension_semantics<core_parallel>, #tpu.dimension_semantics<subcore_parallel>], iteration_bounds = array<i64: 2, 16>, scalar_prefetch = 0 : i64, scratch_operands = 5 : i64, tpu.core_type = #tpu.core_type<sc_vector_subcore>, window_params = [{transform_indices = #map}, {transform_indices = #map1}, {transform_indices = #map1}, {transform_indices = #map}, {transform_indices = #map1}]} {
    %mul3A = arith.constant 16 : i32
    %mul3A_0 = arith.muli %arg0, %mul3A : i32
    %add3A = arith.addi %mul3A_0, %arg1 : i32
    "tpu.region"() ({
      %run_scoped3A = tpu.sem_alloc : memref<!tpu.dma_semaphore, #tpu.memory_space<semaphore_mem>>
      %dma_start3A = arith.constant 0 : i32
      %dma_start3A_14 = arith.constant 0 : i32
      %dma_start3A_15 = tpu.memref_slice %arg3[%add3A, %dma_start3A, %dma_start3A_14] : memref<32x80x128xi32, #tpu.memory_space<hbm>> -> memref<1x80x128xi32, #tpu.memory_space<hbm>>
      %dma_start3A_16 = tpu.memref_squeeze %dma_start3A_15 : memref<1x80x128xi32, #tpu.memory_space<hbm>> -> memref<80x128xi32, #tpu.memory_space<hbm>>
      %dma_start3A_17 = arith.constant 0 : i32
      %dma_start3A_18 = arith.constant 0 : i32
      %dma_start3A_19 = tpu.memref_slice %arg3[%add3A, %dma_start3A_17, %dma_start3A_18] : memref<32x80x128xi32, #tpu.memory_space<hbm>> -> memref<1x80x128xi32, #tpu.memory_space<hbm>>
      %dma_start3A_20 = tpu.memref_squeeze %dma_start3A_19 : memref<1x80x128xi32, #tpu.memory_space<hbm>> -> memref<80x128xi32, #tpu.memory_space<hbm>>
      tpu.enqueue_dma source(%dma_start3A_20 : memref<80x128xi32, #tpu.memory_space<hbm>>) target(%arg7 : memref<80x128xi32, #tpu.memory_space<vmem>>) target_semaphore(%run_scoped3A : memref<!tpu.dma_semaphore, #tpu.memory_space<semaphore_mem>>)
      %dma_wait3A = arith.constant 0 : i32
      %dma_wait3A_21 = arith.constant 0 : i32
      %dma_wait3A_22 = tpu.memref_slice %arg3[%add3A, %dma_wait3A, %dma_wait3A_21] : memref<32x80x128xi32, #tpu.memory_space<hbm>> -> memref<1x80x128xi32, #tpu.memory_space<hbm>>
      %dma_wait3A_23 = tpu.memref_squeeze %dma_wait3A_22 : memref<1x80x128xi32, #tpu.memory_space<hbm>> -> memref<80x128xi32, #tpu.memory_space<hbm>>
      %dma_wait3A_24 = arith.constant 0 : i32
      %dma_wait3A_25 = arith.constant 0 : i32
      %dma_wait3A_26 = tpu.memref_slice %arg3[%add3A, %dma_wait3A_24, %dma_wait3A_25] : memref<32x80x128xi32, #tpu.memory_space<hbm>> -> memref<1x80x128xi32, #tpu.memory_space<hbm>>
      %dma_wait3A_27 = tpu.memref_squeeze %dma_wait3A_26 : memref<1x80x128xi32, #tpu.memory_space<hbm>> -> memref<80x128xi32, #tpu.memory_space<hbm>>
      tpu.wait_dma2 semaphore(%run_scoped3A : memref<!tpu.dma_semaphore, #tpu.memory_space<semaphore_mem>>) src(%dma_wait3A_27 : memref<80x128xi32, #tpu.memory_space<hbm>>) dst(%arg7 : memref<80x128xi32, #tpu.memory_space<vmem>>)
      tpu.yield
    }) : () -> ()
    "tpu.region"() ({
      %run_scoped3A = tpu.sem_alloc : memref<!tpu.dma_semaphore, #tpu.memory_space<semaphore_mem>>
      %dma_start3A = arith.constant 0 : i32
      %dma_start3A_14 = arith.constant 0 : i32
      %dma_start3A_15 = tpu.memref_slice %arg4[%add3A, %dma_start3A, %dma_start3A_14] : memref<32x80x128xi32, #tpu.memory_space<hbm>> -> memref<1x80x128xi32, #tpu.memory_space<hbm>>
      %dma_start3A_16 = tpu.memref_squeeze %dma_start3A_15 : memref<1x80x128xi32, #tpu.memory_space<hbm>> -> memref<80x128xi32, #tpu.memory_space<hbm>>
      %dma_start3A_17 = arith.constant 0 : i32
      %dma_start3A_18 = arith.constant 0 : i32
      %dma_start3A_19 = tpu.memref_slice %arg4[%add3A, %dma_start3A_17, %dma_start3A_18] : memref<32x80x128xi32, #tpu.memory_space<hbm>> -> memref<1x80x128xi32, #tpu.memory_space<hbm>>
      %dma_start3A_20 = tpu.memref_squeeze %dma_start3A_19 : memref<1x80x128xi32, #tpu.memory_space<hbm>> -> memref<80x128xi32, #tpu.memory_space<hbm>>
      tpu.enqueue_dma source(%dma_start3A_20 : memref<80x128xi32, #tpu.memory_space<hbm>>) target(%arg8 : memref<80x128xi32, #tpu.memory_space<vmem>>) target_semaphore(%run_scoped3A : memref<!tpu.dma_semaphore, #tpu.memory_space<semaphore_mem>>)
      %dma_wait3A = arith.constant 0 : i32
      %dma_wait3A_21 = arith.constant 0 : i32
      %dma_wait3A_22 = tpu.memref_slice %arg4[%add3A, %dma_wait3A, %dma_wait3A_21] : memref<32x80x128xi32, #tpu.memory_space<hbm>> -> memref<1x80x128xi32, #tpu.memory_space<hbm>>
      %dma_wait3A_23 = tpu.memref_squeeze %dma_wait3A_22 : memref<1x80x128xi32, #tpu.memory_space<hbm>> -> memref<80x128xi32, #tpu.memory_space<hbm>>
      %dma_wait3A_24 = arith.constant 0 : i32
      %dma_wait3A_25 = arith.constant 0 : i32
      %dma_wait3A_26 = tpu.memref_slice %arg4[%add3A, %dma_wait3A_24, %dma_wait3A_25] : memref<32x80x128xi32, #tpu.memory_space<hbm>> -> memref<1x80x128xi32, #tpu.memory_space<hbm>>
      %dma_wait3A_27 = tpu.memref_squeeze %dma_wait3A_26 : memref<1x80x128xi32, #tpu.memory_space<hbm>> -> memref<80x128xi32, #tpu.memory_space<hbm>>
      tpu.wait_dma2 semaphore(%run_scoped3A : memref<!tpu.dma_semaphore, #tpu.memory_space<semaphore_mem>>) src(%dma_wait3A_27 : memref<80x128xi32, #tpu.memory_space<hbm>>) dst(%arg8 : memref<80x128xi32, #tpu.memory_space<vmem>>)
      tpu.yield
    }) : () -> ()
    %eq3A = arith.constant 0 : i32
    %eq3A_1 = arith.cmpi eq, %arg1, %eq3A : i32
    %convert_element_type3A = arith.extui %eq3A_1 : i1 to i32
    %cond3A = arith.constant 0 : i32
    %cond3A_2 = arith.cmpi ne, %convert_element_type3A, %cond3A : i32
    scf.if %cond3A_2 {
      "tpu.region"() ({
        %run_scoped3A = tpu.sem_alloc : memref<!tpu.dma_semaphore, #tpu.memory_space<semaphore_mem>>
        tpu.enqueue_dma source(%arg5 : memref<10240x128xf32, #tpu.memory_space<hbm>>) target(%arg11 : memref<10240x128xf32, #tpu.memory_space<vmem_shared>>) target_semaphore(%run_scoped3A : memref<!tpu.dma_semaphore, #tpu.memory_space<semaphore_mem>>)
        tpu.wait_dma2 semaphore(%run_scoped3A : memref<!tpu.dma_semaphore, #tpu.memory_space<semaphore_mem>>) src(%arg5 : memref<10240x128xf32, #tpu.memory_space<hbm>>) dst(%arg11 : memref<10240x128xf32, #tpu.memory_space<vmem_shared>>)
        tpu.yield
      }) : () -> ()
    } else {
    }
    %barrier3A = arith.constant 0 : index
    tpu.barrier barrier_id(%barrier3A)
    %scan3A = arith.constant 0 : i32
    %scan3A_3 = arith.constant 0 : i32
    %scan3A_4 = arith.constant 80 : i32
    %scan3A_5 = arith.addi %scan3A_3, %scan3A_4 : i32
    %scan3A_6 = arith.constant 1 : i32
    scf.for %scan3A_14 = %scan3A_3 to %scan3A_5 step %scan3A_6  : i32 {
      "tpu.region"() ({
        %run_scoped3A = tpu.sem_alloc : memref<!tpu.dma_semaphore, #tpu.memory_space<semaphore_mem>>
        %dma_start3A = arith.constant 0 : i32
        %dma_start3A_77 = tpu.memref_slice %arg7[%scan3A_14, %dma_start3A] : memref<80x128xi32, #tpu.memory_space<vmem>> -> memref<1x128xi32, #tpu.memory_space<vmem>>
        %dma_start3A_78 = tpu.memref_squeeze %dma_start3A_77 : memref<1x128xi32, #tpu.memory_space<vmem>> -> memref<128xi32, #tpu.memory_space<vmem>>
        %dma_start3A_79 = arith.constant 0 : i32
        %dma_start3A_80 = arith.constant 0 : i32
        %dma_start3A_81 = tpu.memref_slice %arg2[%dma_start3A_79, %dma_start3A_80] : memref<10240x128xf32, #tpu.memory_space<hbm>> -> memref<10240x128xf32, #tpu.memory_space<hbm>>
        tpu.enqueue_indirect_dma source(%dma_start3A_81 : memref<10240x128xf32, #tpu.memory_space<hbm>>) target(%arg9 : memref<128x128xf32, #tpu.memory_space<vmem>>) offsets(%dma_start3A_78 : memref<128xi32, #tpu.memory_space<vmem>>) semaphore(%run_scoped3A : memref<!tpu.dma_semaphore, #tpu.memory_space<semaphore_mem>>)
        %dma_wait3A = arith.constant 0 : i32
        %dma_wait3A_82 = tpu.memref_slice %arg7[%scan3A_14, %dma_wait3A] : memref<80x128xi32, #tpu.memory_space<vmem>> -> memref<1x128xi32, #tpu.memory_space<vmem>>
        %dma_wait3A_83 = tpu.memref_squeeze %dma_wait3A_82 : memref<1x128xi32, #tpu.memory_space<vmem>> -> memref<128xi32, #tpu.memory_space<vmem>>
        %dma_wait3A_84 = arith.constant 0 : i32
        %dma_wait3A_85 = arith.constant 0 : i32
        %dma_wait3A_86 = tpu.memref_slice %arg2[%dma_wait3A_84, %dma_wait3A_85] : memref<10240x128xf32, #tpu.memory_space<hbm>> -> memref<10240x128xf32, #tpu.memory_space<hbm>>
        tpu.wait_indirect_dma semaphore(%run_scoped3A : memref<!tpu.dma_semaphore, #tpu.memory_space<semaphore_mem>>) src(%dma_wait3A_86 : memref<10240x128xf32, #tpu.memory_space<hbm>>) dst(%arg9 : memref<128x128xf32, #tpu.memory_space<vmem>>)
        tpu.yield
      }) : () -> ()
      %get3A = arith.index_cast %scan3A_14 : i32 to index
      %get3A_15 = arith.constant 0 : index
      %get3A_16 = tpu.vector_load %arg8[%get3A, %get3A_15] {strides = array<i32>} : memref<80x128xi32, #tpu.memory_space<vmem>>, vector<1x16xi32>,
      %get3A_17 = vector.shape_cast %get3A_16 : vector<1x16xi32> to vector<16xi32>
      %swap3A = arith.constant 0 : index
      %swap3A_18 = tpu.vector_load %arg10[%swap3A] {strides = array<i32>} : memref<128xi32, #tpu.memory_space<vmem>>, vector<16xi32>,
      %swap3A_19 = vector.shape_cast %swap3A_18 : vector<16xi32> to vector<16xi32>
      %swap3A_20 = vector.shape_cast %get3A_17 : vector<16xi32> to vector<16xi32>
      tpu.vector_store %arg10[%swap3A], %swap3A_20 {strides = array<i32>} : memref<128xi32, #tpu.memory_space<vmem>>, vector<16xi32>,
      %get3A_21 = arith.index_cast %scan3A_14 : i32 to index
      %get3A_22 = arith.constant 16 : index
      %get3A_23 = tpu.vector_load %arg8[%get3A_21, %get3A_22] {strides = array<i32>} : memref<80x128xi32, #tpu.memory_space<vmem>>, vector<1x16xi32>,
      %get3A_24 = vector.shape_cast %get3A_23 : vector<1x16xi32> to vector<16xi32>
      %swap3A_25 = arith.constant 16 : index
      %swap3A_26 = tpu.vector_load %arg10[%swap3A_25] {strides = array<i32>} : memref<128xi32, #tpu.memory_space<vmem>>, vector<16xi32>,
      %swap3A_27 = vector.shape_cast %swap3A_26 : vector<16xi32> to vector<16xi32>
      %swap3A_28 = vector.shape_cast %get3A_24 : vector<16xi32> to vector<16xi32>
      tpu.vector_store %arg10[%swap3A_25], %swap3A_28 {strides = array<i32>} : memref<128xi32, #tpu.memory_space<vmem>>, vector<16xi32>,
      %get3A_29 = arith.index_cast %scan3A_14 : i32 to index
      %get3A_30 = arith.constant 32 : index
      %get3A_31 = tpu.vector_load %arg8[%get3A_29, %get3A_30] {strides = array<i32>} : memref<80x128xi32, #tpu.memory_space<vmem>>, vector<1x16xi32>,
      %get3A_32 = vector.shape_cast %get3A_31 : vector<1x16xi32> to vector<16xi32>
      %swap3A_33 = arith.constant 32 : index
      %swap3A_34 = tpu.vector_load %arg10[%swap3A_33] {strides = array<i32>} : memref<128xi32, #tpu.memory_space<vmem>>, vector<16xi32>,
      %swap3A_35 = vector.shape_cast %swap3A_34 : vector<16xi32> to vector<16xi32>
      %swap3A_36 = vector.shape_cast %get3A_32 : vector<16xi32> to vector<16xi32>
      tpu.vector_store %arg10[%swap3A_33], %swap3A_36 {strides = array<i32>} : memref<128xi32, #tpu.memory_space<vmem>>, vector<16xi32>,
      %get3A_37 = arith.index_cast %scan3A_14 : i32 to index
      %get3A_38 = arith.constant 48 : index
      %get3A_39 = tpu.vector_load %arg8[%get3A_37, %get3A_38] {strides = array<i32>} : memref<80x128xi32, #tpu.memory_space<vmem>>, vector<1x16xi32>,
      %get3A_40 = vector.shape_cast %get3A_39 : vector<1x16xi32> to vector<16xi32>
      %swap3A_41 = arith.constant 48 : index
      %swap3A_42 = tpu.vector_load %arg10[%swap3A_41] {strides = array<i32>} : memref<128xi32, #tpu.memory_space<vmem>>, vector<16xi32>,
      %swap3A_43 = vector.shape_cast %swap3A_42 : vector<16xi32> to vector<16xi32>
      %swap3A_44 = vector.shape_cast %get3A_40 : vector<16xi32> to vector<16xi32>
      tpu.vector_store %arg10[%swap3A_41], %swap3A_44 {strides = array<i32>} : memref<128xi32, #tpu.memory_space<vmem>>, vector<16xi32>,
      %get3A_45 = arith.index_cast %scan3A_14 : i32 to index
      %get3A_46 = arith.constant 64 : index
      %get3A_47 = tpu.vector_load %arg8[%get3A_45, %get3A_46] {strides = array<i32>} : memref<80x128xi32, #tpu.memory_space<vmem>>, vector<1x16xi32>,
      %get3A_48 = vector.shape_cast %get3A_47 : vector<1x16xi32> to vector<16xi32>
      %swap3A_49 = arith.constant 64 : index
      %swap3A_50 = tpu.vector_load %arg10[%swap3A_49] {strides = array<i32>} : memref<128xi32, #tpu.memory_space<vmem>>, vector<16xi32>,
      %swap3A_51 = vector.shape_cast %swap3A_50 : vector<16xi32> to vector<16xi32>
      %swap3A_52 = vector.shape_cast %get3A_48 : vector<16xi32> to vector<16xi32>
      tpu.vector_store %arg10[%swap3A_49], %swap3A_52 {strides = array<i32>} : memref<128xi32, #tpu.memory_space<vmem>>, vector<16xi32>,
      %get3A_53 = arith.index_cast %scan3A_14 : i32 to index
      %get3A_54 = arith.constant 80 : index
      %get3A_55 = tpu.vector_load %arg8[%get3A_53, %get3A_54] {strides = array<i32>} : memref<80x128xi32, #tpu.memory_space<vmem>>, vector<1x16xi32>,
      %get3A_56 = vector.shape_cast %get3A_55 : vector<1x16xi32> to vector<16xi32>
      %swap3A_57 = arith.constant 80 : index
      %swap3A_58 = tpu.vector_load %arg10[%swap3A_57] {strides = array<i32>} : memref<128xi32, #tpu.memory_space<vmem>>, vector<16xi32>,
      %swap3A_59 = vector.shape_cast %swap3A_58 : vector<16xi32> to vector<16xi32>
      %swap3A_60 = vector.shape_cast %get3A_56 : vector<16xi32> to vector<16xi32>
      tpu.vector_store %arg10[%swap3A_57], %swap3A_60 {strides = array<i32>} : memref<128xi32, #tpu.memory_space<vmem>>, vector<16xi32>,
      %get3A_61 = arith.index_cast %scan3A_14 : i32 to index
      %get3A_62 = arith.constant 96 : index
      %get3A_63 = tpu.vector_load %arg8[%get3A_61, %get3A_62] {strides = array<i32>} : memref<80x128xi32, #tpu.memory_space<vmem>>, vector<1x16xi32>,
      %get3A_64 = vector.shape_cast %get3A_63 : vector<1x16xi32> to vector<16xi32>
      %swap3A_65 = arith.constant 96 : index
      %swap3A_66 = tpu.vector_load %arg10[%swap3A_65] {strides = array<i32>} : memref<128xi32, #tpu.memory_space<vmem>>, vector<16xi32>,
      %swap3A_67 = vector.shape_cast %swap3A_66 : vector<16xi32> to vector<16xi32>
      %swap3A_68 = vector.shape_cast %get3A_64 : vector<16xi32> to vector<16xi32>
      tpu.vector_store %arg10[%swap3A_65], %swap3A_68 {strides = array<i32>} : memref<128xi32, #tpu.memory_space<vmem>>, vector<16xi32>,
      %get3A_69 = arith.index_cast %scan3A_14 : i32 to index
      %get3A_70 = arith.constant 112 : index
      %get3A_71 = tpu.vector_load %arg8[%get3A_69, %get3A_70] {strides = array<i32>} : memref<80x128xi32, #tpu.memory_space<vmem>>, vector<1x16xi32>,
      %get3A_72 = vector.shape_cast %get3A_71 : vector<1x16xi32> to vector<16xi32>
      %swap3A_73 = arith.constant 112 : index
      %swap3A_74 = tpu.vector_load %arg10[%swap3A_73] {strides = array<i32>} : memref<128xi32, #tpu.memory_space<vmem>>, vector<16xi32>,
      %swap3A_75 = vector.shape_cast %swap3A_74 : vector<16xi32> to vector<16xi32>
      %swap3A_76 = vector.shape_cast %get3A_72 : vector<16xi32> to vector<16xi32>
      tpu.vector_store %arg10[%swap3A_73], %swap3A_76 {strides = array<i32>} : memref<128xi32, #tpu.memory_space<vmem>>, vector<16xi32>,
      "tpu.region"() ({
        %run_scoped3A = tpu.sem_alloc : memref<!tpu.dma_semaphore, #tpu.memory_space<semaphore_mem>>
        %dma_start3A = arith.constant 0 : i32
        %dma_start3A_77 = arith.constant 0 : i32
        %dma_start3A_78 = tpu.memref_slice %arg11[%dma_start3A, %dma_start3A_77] : memref<10240x128xf32, #tpu.memory_space<vmem_shared>> -> memref<10240x128xf32, #tpu.memory_space<vmem_shared>>
        tpu.enqueue_indirect_dma source(%arg9 : memref<128x128xf32, #tpu.memory_space<vmem>>) target(%dma_start3A_78 : memref<10240x128xf32, #tpu.memory_space<vmem_shared>>) offsets(%arg10 : memref<128xi32, #tpu.memory_space<vmem>>) semaphore(%run_scoped3A : memref<!tpu.dma_semaphore, #tpu.memory_space<semaphore_mem>>) {add = true}
        %dma_wait3A = arith.constant 0 : i32
        %dma_wait3A_79 = arith.constant 0 : i32
        %dma_wait3A_80 = tpu.memref_slice %arg11[%dma_wait3A, %dma_wait3A_79] : memref<10240x128xf32, #tpu.memory_space<vmem_shared>> -> memref<10240x128xf32, #tpu.memory_space<vmem_shared>>
        tpu.wait_indirect_dma semaphore(%run_scoped3A : memref<!tpu.dma_semaphore, #tpu.memory_space<semaphore_mem>>) src(%arg9 : memref<128x128xf32, #tpu.memory_space<vmem>>) dst(%dma_wait3A_80 : memref<10240x128xf32, #tpu.memory_space<vmem_shared>>)
        tpu.yield
      }) : () -> ()
    }
    %scan3A_7 = arith.constant 80 : i32
    %barrier3A_8 = arith.constant 0 : index
    tpu.barrier barrier_id(%barrier3A_8)
    %eq3A_9 = arith.constant 0 : i32
    %eq3A_10 = arith.cmpi eq, %arg1, %eq3A_9 : i32
    %convert_element_type3A_11 = arith.extui %eq3A_10 : i1 to i32
    %cond3A_12 = arith.constant 0 : i32
    %cond3A_13 = arith.cmpi ne, %convert_element_type3A_11, %cond3A_12 : i32
    scf.if %cond3A_13 {
      "tpu.region"() ({
        %run_scoped3A = tpu.sem_alloc : memref<!tpu.dma_semaphore, #tpu.memory_space<semaphore_mem>>
        %dma_start3A = arith.constant 0 : i32
        %dma_start3A_14 = arith.constant 0 : i32
        %dma_start3A_15 = tpu.memref_slice %arg6[%arg0, %dma_start3A, %dma_start3A_14] : memref<2x10240x128xf32, #tpu.memory_space<hbm>> -> memref<1x10240x128xf32, #tpu.memory_space<hbm>>
        %dma_start3A_16 = tpu.memref_squeeze %dma_start3A_15 : memref<1x10240x128xf32, #tpu.memory_space<hbm>> -> memref<10240x128xf32, #tpu.memory_space<hbm>>
        tpu.enqueue_dma source(%arg11 : memref<10240x128xf32, #tpu.memory_space<vmem_shared>>) target(%dma_start3A_16 : memref<10240x128xf32, #tpu.memory_space<hbm>>) target_semaphore(%run_scoped3A : memref<!tpu.dma_semaphore, #tpu.memory_space<semaphore_mem>>)
        %dma_wait3A = arith.constant 0 : i32
        %dma_wait3A_17 = arith.constant 0 : i32
        %dma_wait3A_18 = tpu.memref_slice %arg6[%arg0, %dma_wait3A, %dma_wait3A_17] : memref<2x10240x128xf32, #tpu.memory_space<hbm>> -> memref<1x10240x128xf32, #tpu.memory_space<hbm>>
        %dma_wait3A_19 = tpu.memref_squeeze %dma_wait3A_18 : memref<1x10240x128xf32, #tpu.memory_space<hbm>> -> memref<10240x128xf32, #tpu.memory_space<hbm>>
        tpu.wait_dma2 semaphore(%run_scoped3A : memref<!tpu.dma_semaphore, #tpu.memory_space<semaphore_mem>>) src(%arg11 : memref<10240x128xf32, #tpu.memory_space<vmem_shared>>) dst(%dma_wait3A_19 : memref<10240x128xf32, #tpu.memory_space<hbm>>)
        tpu.yield
      }) : () -> ()
    } else {
    }
    return
  }
}

module attributes {stable_mosaic.version = 14 : i64} {
  func.func @_tc0_body(%arg0: i32, %arg1: memref<512x128xf32, #tpu.memory_space<vmem>>, %arg2: memref<512x16xf32, #tpu.memory_space<vmem>>, %arg3: memref<512x16xf32, #tpu.memory_space<vmem>>, %arg4: memref<512x128xf32, #tpu.memory_space<vmem>>) attributes {dimension_semantics = [#tpu.dimension_semantics<arbitrary>], iteration_bounds = array<i64: 20>, scalar_prefetch = 0 : i64, scratch_operands = 0 : i64, tpu.core_type = #tpu.core_type<tc>, window_params = [{transform_indices = @transform_0, window_bounds = array<i64: 512, 128>}, {transform_indices = @transform_1, window_bounds = array<i64: 512, 16>}, {transform_indices = @transform_2, window_bounds = array<i64: 512, 16>}, {transform_indices = @transform_3, window_bounds = array<i64: 512, 128>}]} {
    %get3A = arith.constant 0 : index
    %get3A_0 = arith.constant 0 : index
    %get3A_1 = vector.load %arg1[%get3A, %get3A_0] : memref<512x128xf32, #tpu.memory_space<vmem>>, vector<512x128xf32>
    %get3A_2 = arith.constant 0 : index
    %get3A_3 = arith.constant 0 : index
    %get3A_4 = vector.load %arg2[%get3A_2, %get3A_3] : memref<512x16xf32, #tpu.memory_space<vmem>>, vector<512x1xf32>
    %get3A_5 = arith.constant 0 : index
    %get3A_6 = arith.constant 0 : index
    %get3A_7 = vector.load %arg3[%get3A_5, %get3A_6] : memref<512x16xf32, #tpu.memory_space<vmem>>, vector<512x1xf32>
    %add3A = arith.addf %get3A_4, %get3A_7 : vector<512x1xf32>
    %max3A = arith.constant 1.000000e+00 : f32
    %max3A_8 = vector.broadcast %max3A : f32 to vector<512x1xf32>
    %max3A_9 = arith.maximumf %add3A, %max3A_8 : vector<512x1xf32>
    %rsqrt3A = math.rsqrt %max3A_9 : vector<512x1xf32>
    %mul3A = vector.broadcast %rsqrt3A : vector<512x1xf32> to vector<512x128xf32>
    %mul3A_10 = arith.mulf %get3A_1, %mul3A : vector<512x128xf32>
    %swap3A = arith.constant 0 : index
    %swap3A_11 = arith.constant 0 : index
    %swap3A_12 = vector.load %arg4[%swap3A, %swap3A_11] : memref<512x128xf32, #tpu.memory_space<vmem>>, vector<512x128xf32>
    tpu.vector_store %arg4[%swap3A, %swap3A_11], %mul3A_10 {strides = array<i32>} : memref<512x128xf32, #tpu.memory_space<vmem>>, vector<512x128xf32>,
    return
  }
  func.func @transform_0(%arg0: i32) -> (i32, i32) {
    %c0_i32 = arith.constant 0 : i32
    %c0_i32_0 = arith.constant 0 : i32
    return %arg0, %c0_i32 : i32, i32
  }
  func.func @transform_1(%arg0: i32) -> (i32, i32) {
    %c0_i32 = arith.constant 0 : i32
    %c0_i32_0 = arith.constant 0 : i32
    return %arg0, %c0_i32 : i32, i32
  }
  func.func @transform_2(%arg0: i32) -> (i32, i32) {
    %c0_i32 = arith.constant 0 : i32
    %c0_i32_0 = arith.constant 0 : i32
    return %arg0, %c0_i32 : i32, i32
  }
  func.func @transform_3(%arg0: i32) -> (i32, i32) {
    %c0_i32 = arith.constant 0 : i32
    %c0_i32_0 = arith.constant 0 : i32
    return %arg0, %c0_i32 : i32, i32
  }
}

module attributes {stable_mosaic.version = 14 : i64} {
  func.func @_tc1_body(%arg0: i32, %arg1: memref<512x128xf32, #tpu.memory_space<vmem>>, %arg2: memref<512x128xf32, #tpu.memory_space<vmem>>, %arg3: memref<512x16xf32, #tpu.memory_space<vmem>>, %arg4: memref<512x16xf32, #tpu.memory_space<vmem>>, %arg5: memref<512x16xf32, #tpu.memory_space<vmem>>, %arg6: memref<512x16xf32, #tpu.memory_space<vmem>>, %arg7: memref<128x128xf32, #tpu.memory_space<vmem>>, %arg8: memref<1x128xf32, #tpu.memory_space<vmem>>, %arg9: memref<512x128xf32, #tpu.memory_space<vmem>>) attributes {dimension_semantics = [#tpu.dimension_semantics<arbitrary>], iteration_bounds = array<i64: 20>, scalar_prefetch = 0 : i64, scratch_operands = 0 : i64, tpu.core_type = #tpu.core_type<tc>, window_params = [{transform_indices = @transform_0, window_bounds = array<i64: 512, 128>}, {transform_indices = @transform_1, window_bounds = array<i64: 512, 128>}, {transform_indices = @transform_2, window_bounds = array<i64: 512, 16>}, {transform_indices = @transform_3, window_bounds = array<i64: 512, 16>}, {transform_indices = @transform_4, window_bounds = array<i64: 512, 16>}, {transform_indices = @transform_5, window_bounds = array<i64: 512, 16>}, {pipeline_mode = #tpu.pipeline_mode<synchronous>, transform_indices = @transform_6, window_bounds = array<i64: 128, 128>}, {pipeline_mode = #tpu.pipeline_mode<synchronous>, transform_indices = @transform_7, window_bounds = array<i64: 1, 128>}, {transform_indices = @transform_8, window_bounds = array<i64: 512, 128>}]} {
    %get3A = arith.constant 0 : index
    %get3A_0 = arith.constant 0 : index
    %get3A_1 = vector.load %arg1[%get3A, %get3A_0] : memref<512x128xf32, #tpu.memory_space<vmem>>, vector<512x128xf32>
    %get3A_2 = arith.constant 0 : index
    %get3A_3 = arith.constant 0 : index
    %get3A_4 = vector.load %arg2[%get3A_2, %get3A_3] : memref<512x128xf32, #tpu.memory_space<vmem>>, vector<512x128xf32>
    %add3A = arith.addf %get3A_1, %get3A_4 : vector<512x128xf32>
    %get3A_5 = arith.constant 0 : index
    %get3A_6 = arith.constant 0 : index
    %get3A_7 = vector.load %arg7[%get3A_5, %get3A_6] : memref<128x128xf32, #tpu.memory_space<vmem>>, vector<128x128xf32>
    %dot_general3A = arith.constant dense<0.000000e+00> : vector<512x128xf32>
    %dot_general3A_8 = tpu.matmul %add3A, %get3A_7, %dot_general3A {dimension_numbers = #tpu.dot_dimension_numbers<[1], [0], [0], [1], [0, 0, 1, 1], [], []>, transpose_lhs_hint = false} : vector<512x128xf32>, vector<128x128xf32>, vector<512x128xf32> -> vector<512x128xf32>
    %get3A_9 = arith.constant 0 : index
    %get3A_10 = arith.constant 0 : index
    %get3A_11 = vector.load %arg3[%get3A_9, %get3A_10] : memref<512x16xf32, #tpu.memory_space<vmem>>, vector<512x1xf32>
    %get3A_12 = arith.constant 0 : index
    %get3A_13 = arith.constant 0 : index
    %get3A_14 = vector.load %arg4[%get3A_12, %get3A_13] : memref<512x16xf32, #tpu.memory_space<vmem>>, vector<512x1xf32>
    %add3A_15 = arith.addf %get3A_11, %get3A_14 : vector<512x1xf32>
    %max3A = arith.constant 1.000000e+00 : f32
    %max3A_16 = vector.broadcast %max3A : f32 to vector<512x1xf32>
    %max3A_17 = arith.maximumf %add3A_15, %max3A_16 : vector<512x1xf32>
    %rsqrt3A = math.rsqrt %max3A_17 : vector<512x1xf32>
    %mul3A = vector.broadcast %rsqrt3A : vector<512x1xf32> to vector<512x128xf32>
    %mul3A_18 = arith.mulf %dot_general3A_8, %mul3A : vector<512x128xf32>
    %get3A_19 = arith.constant 0 : index
    %get3A_20 = arith.constant 0 : index
    %get3A_21 = vector.load %arg8[%get3A_19, %get3A_20] : memref<1x128xf32, #tpu.memory_space<vmem>>, vector<1x128xf32>
    %add3A_22 = vector.broadcast %get3A_21 : vector<1x128xf32> to vector<512x128xf32>
    %add3A_23 = arith.addf %mul3A_18, %add3A_22 : vector<512x128xf32>
    %max3A_24 = arith.constant 0.000000e+00 : f32
    %max3A_25 = vector.broadcast %max3A_24 : f32 to vector<512x128xf32>
    %max3A_26 = arith.maximumf %add3A_23, %max3A_25 : vector<512x128xf32>
    %get3A_27 = arith.constant 0 : index
    %get3A_28 = arith.constant 0 : index
    %get3A_29 = vector.load %arg5[%get3A_27, %get3A_28] : memref<512x16xf32, #tpu.memory_space<vmem>>, vector<512x1xf32>
    %get3A_30 = arith.constant 0 : index
    %get3A_31 = arith.constant 0 : index
    %get3A_32 = vector.load %arg6[%get3A_30, %get3A_31] : memref<512x16xf32, #tpu.memory_space<vmem>>, vector<512x1xf32>
    %add3A_33 = arith.addf %get3A_29, %get3A_32 : vector<512x1xf32>
    %max3A_34 = arith.constant 1.000000e+00 : f32
    %max3A_35 = vector.broadcast %max3A_34 : f32 to vector<512x1xf32>
    %max3A_36 = arith.maximumf %add3A_33, %max3A_35 : vector<512x1xf32>
    %rsqrt3A_37 = math.rsqrt %max3A_36 : vector<512x1xf32>
    %mul3A_38 = vector.broadcast %rsqrt3A_37 : vector<512x1xf32> to vector<512x128xf32>
    %mul3A_39 = arith.mulf %max3A_26, %mul3A_38 : vector<512x128xf32>
    %swap3A = arith.constant 0 : index
    %swap3A_40 = arith.constant 0 : index
    %swap3A_41 = vector.load %arg9[%swap3A, %swap3A_40] : memref<512x128xf32, #tpu.memory_space<vmem>>, vector<512x128xf32>
    tpu.vector_store %arg9[%swap3A, %swap3A_40], %mul3A_39 {strides = array<i32>} : memref<512x128xf32, #tpu.memory_space<vmem>>, vector<512x128xf32>,
    return
  }
  func.func @transform_0(%arg0: i32) -> (i32, i32) {
    %c0_i32 = arith.constant 0 : i32
    %c0_i32_0 = arith.constant 0 : i32
    return %arg0, %c0_i32 : i32, i32
  }
  func.func @transform_1(%arg0: i32) -> (i32, i32) {
    %c0_i32 = arith.constant 0 : i32
    %c0_i32_0 = arith.constant 0 : i32
    return %arg0, %c0_i32 : i32, i32
  }
  func.func @transform_2(%arg0: i32) -> (i32, i32) {
    %c0_i32 = arith.constant 0 : i32
    %c0_i32_0 = arith.constant 0 : i32
    return %arg0, %c0_i32 : i32, i32
  }
  func.func @transform_3(%arg0: i32) -> (i32, i32) {
    %c0_i32 = arith.constant 0 : i32
    %c0_i32_0 = arith.constant 0 : i32
    return %arg0, %c0_i32 : i32, i32
  }
  func.func @transform_4(%arg0: i32) -> (i32, i32) {
    %c0_i32 = arith.constant 0 : i32
    %c0_i32_0 = arith.constant 0 : i32
    return %arg0, %c0_i32 : i32, i32
  }
  func.func @transform_5(%arg0: i32) -> (i32, i32) {
    %c0_i32 = arith.constant 0 : i32
    %c0_i32_0 = arith.constant 0 : i32
    return %arg0, %c0_i32 : i32, i32
  }
  func.func @transform_6(%arg0: i32) -> (i32, i32) {
    %c0_i32 = arith.constant 0 : i32
    %c0_i32_0 = arith.constant 0 : i32
    %c0_i32_1 = arith.constant 0 : i32
    return %c0_i32, %c0_i32_0 : i32, i32
  }
  func.func @transform_7(%arg0: i32) -> (i32, i32) {
    %c0_i32 = arith.constant 0 : i32
    %c0_i32_0 = arith.constant 0 : i32
    %c0_i32_1 = arith.constant 0 : i32
    return %c0_i32, %c0_i32_0 : i32, i32
  }
  func.func @transform_8(%arg0: i32) -> (i32, i32) {
    %c0_i32 = arith.constant 0 : i32
    %c0_i32_0 = arith.constant 0 : i32
    return %arg0, %c0_i32 : i32, i32
  }
}

module attributes {stable_mosaic.version = 14 : i64} {
  func.func @_tc3_body(%arg0: i32, %arg1: memref<512x128xf32, #tpu.memory_space<vmem>>, %arg2: memref<512x128xf32, #tpu.memory_space<vmem>>, %arg3: memref<512x16xf32, #tpu.memory_space<vmem>>, %arg4: memref<512x16xf32, #tpu.memory_space<vmem>>, %arg5: memref<128x64xf32, #tpu.memory_space<vmem>>, %arg6: memref<1x64xf32, #tpu.memory_space<vmem>>, %arg7: memref<512x64xf32, #tpu.memory_space<vmem>>) attributes {dimension_semantics = [#tpu.dimension_semantics<arbitrary>], iteration_bounds = array<i64: 20>, scalar_prefetch = 0 : i64, scratch_operands = 0 : i64, tpu.core_type = #tpu.core_type<tc>, window_params = [{transform_indices = @transform_0, window_bounds = array<i64: 512, 128>}, {transform_indices = @transform_1, window_bounds = array<i64: 512, 128>}, {transform_indices = @transform_2, window_bounds = array<i64: 512, 16>}, {transform_indices = @transform_3, window_bounds = array<i64: 512, 16>}, {pipeline_mode = #tpu.pipeline_mode<synchronous>, transform_indices = @transform_4, window_bounds = array<i64: 128, 64>}, {pipeline_mode = #tpu.pipeline_mode<synchronous>, transform_indices = @transform_5, window_bounds = array<i64: 1, 64>}, {transform_indices = @transform_6, window_bounds = array<i64: 512, 64>}]} {
    %get3A = arith.constant 0 : index
    %get3A_0 = arith.constant 0 : index
    %get3A_1 = vector.load %arg1[%get3A, %get3A_0] : memref<512x128xf32, #tpu.memory_space<vmem>>, vector<512x128xf32>
    %get3A_2 = arith.constant 0 : index
    %get3A_3 = arith.constant 0 : index
    %get3A_4 = vector.load %arg2[%get3A_2, %get3A_3] : memref<512x128xf32, #tpu.memory_space<vmem>>, vector<512x128xf32>
    %add3A = arith.addf %get3A_1, %get3A_4 : vector<512x128xf32>
    %get3A_5 = arith.constant 0 : index
    %get3A_6 = arith.constant 0 : index
    %get3A_7 = vector.load %arg5[%get3A_5, %get3A_6] : memref<128x64xf32, #tpu.memory_space<vmem>>, vector<128x64xf32>
    %dot_general3A = arith.constant dense<0.000000e+00> : vector<512x64xf32>
    %dot_general3A_8 = tpu.matmul %add3A, %get3A_7, %dot_general3A {dimension_numbers = #tpu.dot_dimension_numbers<[1], [0], [0], [1], [0, 0, 1, 1], [], []>, transpose_lhs_hint = false} : vector<512x128xf32>, vector<128x64xf32>, vector<512x64xf32> -> vector<512x64xf32>
    %get3A_9 = arith.constant 0 : index
    %get3A_10 = arith.constant 0 : index
    %get3A_11 = vector.load %arg3[%get3A_9, %get3A_10] : memref<512x16xf32, #tpu.memory_space<vmem>>, vector<512x1xf32>
    %get3A_12 = arith.constant 0 : index
    %get3A_13 = arith.constant 0 : index
    %get3A_14 = vector.load %arg4[%get3A_12, %get3A_13] : memref<512x16xf32, #tpu.memory_space<vmem>>, vector<512x1xf32>
    %add3A_15 = arith.addf %get3A_11, %get3A_14 : vector<512x1xf32>
    %max3A = arith.constant 1.000000e+00 : f32
    %max3A_16 = vector.broadcast %max3A : f32 to vector<512x1xf32>
    %max3A_17 = arith.maximumf %add3A_15, %max3A_16 : vector<512x1xf32>
    %rsqrt3A = math.rsqrt %max3A_17 : vector<512x1xf32>
    %mul3A = vector.broadcast %rsqrt3A : vector<512x1xf32> to vector<512x64xf32>
    %mul3A_18 = arith.mulf %dot_general3A_8, %mul3A : vector<512x64xf32>
    %get3A_19 = arith.constant 0 : index
    %get3A_20 = arith.constant 0 : index
    %get3A_21 = vector.load %arg6[%get3A_19, %get3A_20] : memref<1x64xf32, #tpu.memory_space<vmem>>, vector<1x64xf32>
    %add3A_22 = vector.broadcast %get3A_21 : vector<1x64xf32> to vector<512x64xf32>
    %add3A_23 = arith.addf %mul3A_18, %add3A_22 : vector<512x64xf32>
    %swap3A = arith.constant 0 : index
    %swap3A_24 = arith.constant 0 : index
    %swap3A_25 = vector.load %arg7[%swap3A, %swap3A_24] : memref<512x64xf32, #tpu.memory_space<vmem>>, vector<512x64xf32>
    tpu.vector_store %arg7[%swap3A, %swap3A_24], %add3A_23 {strides = array<i32>} : memref<512x64xf32, #tpu.memory_space<vmem>>, vector<512x64xf32>,
    return
  }
  func.func @transform_0(%arg0: i32) -> (i32, i32) {
    %c0_i32 = arith.constant 0 : i32
    %c0_i32_0 = arith.constant 0 : i32
    return %arg0, %c0_i32 : i32, i32
  }
  func.func @transform_1(%arg0: i32) -> (i32, i32) {
    %c0_i32 = arith.constant 0 : i32
    %c0_i32_0 = arith.constant 0 : i32
    return %arg0, %c0_i32 : i32, i32
  }
  func.func @transform_2(%arg0: i32) -> (i32, i32) {
    %c0_i32 = arith.constant 0 : i32
    %c0_i32_0 = arith.constant 0 : i32
    return %arg0, %c0_i32 : i32, i32
  }
  func.func @transform_3(%arg0: i32) -> (i32, i32) {
    %c0_i32 = arith.constant 0 : i32
    %c0_i32_0 = arith.constant 0 : i32
    return %arg0, %c0_i32 : i32, i32
  }
  func.func @transform_4(%arg0: i32) -> (i32, i32) {
    %c0_i32 = arith.constant 0 : i32
    %c0_i32_0 = arith.constant 0 : i32
    %c0_i32_1 = arith.constant 0 : i32
    return %c0_i32, %c0_i32_0 : i32, i32
  }
  func.func @transform_5(%arg0: i32) -> (i32, i32) {
    %c0_i32 = arith.constant 0 : i32
    %c0_i32_0 = arith.constant 0 : i32
    %c0_i32_1 = arith.constant 0 : i32
    return %c0_i32, %c0_i32_0 : i32, i32
  }
  func.func @transform_6(%arg0: i32) -> (i32, i32) {
    %c0_i32 = arith.constant 0 : i32
    %c0_i32_0 = arith.constant 0 : i32
    return %arg0, %c0_i32 : i32, i32
  }
}

</mosaic_0001>

<sc_bundles>
// kernel: kernel.11.cloned.1.call-start
scs
__scs_entry_jumppad:
0x0: {  	(pc) =	sbr.rel $0x88, $3  }
0x1: {  	(tag) =	ssettag $0x0;
	lr =	simm.s32 $0x1  }
0x2: {  	[smem:$0x3F99] =	sst lr;
	_ =	strace $0xD0000000  }
0x3: {  	_ = 	snop  }
0x4: {  	_ = 	snop  }
0x5: {  	_ = 	snop  }
0x6: {  	_ = 	snop  }
0x7: {  	_ = 	snop  }
__scs_overlays_trampoline_lowered:
0x8: {  	[smem:$0x3FA8] =	sst s0  }
0x9: {  	[smem:$0x3FA9] =	sst s1  }
0xa: {  	[smem:$0x3FAA] =	sst s2  }
0xb: {  	[smem:$0x3FAB] =	sst s3  }
0xc: {  	[smem:$0x3FAC] =	sst s4  }
0xd: {  	[smem:$0x3FAD] =	sst s5  }
0xe: {  	[smem:$0x3FAE] =	sst s6  }
0xf: {  	[smem:$0x3FAF] =	sst s7  }
0x10: {  	[smem:$0x3FB0] =	sst s8  }
0x11: {  	[smem:$0x3FB1] =	sst s9;
	s0 =	simm.s32 @!p0 $0x0  }
0x12: {  	s1 =	sld [smem:$0x3F97];
	s0 =	simm.s32 @p0 $0x1  }
0x13: {  	[smem:$0x3FB2] =	sst s0;
	s0 =	simm.s32 @!p1 $0x0  }
0x14: {  	s2 =	sld [smem:$0x3F96];
	s0 =	simm.s32 @p1 $0x1  }
0x15: {  	[smem:$0x3FB3] =	sst s0;
	s0 =	simm.s32 @!p2 $0x0  }
0x16: {  	s3 =	sld [smem:$0x3FDB];
	s0 =	simm.s32 @p2 $0x1  }
0x17: {  	s4 =	simm.s32 $0x1BF5;
	[smem:$0x3FB5] =	sst s0  }
0x18: {  	s0 =	sld [smem:$0x3F98];
	_ =	swait.ge [sflag:s4], $0x0  }
0x19: {  	s7 =	sld [smem:$0x3F99]  }
0x1a: {  	s8 =	sadd.s32 $0xFFFFE003, lr  }
0x1b: {  	s9 =	sadd.s32 $0xFFFFFEF7, lr;
	s5 =	simm.s32 $0xFFFFFFFF;
	p2 =	slt.u32 s8, $0xFFFFF086  }
0x1c: {  	p1 =	slt.u32 s9, $0xF7A;
	s5 =	simm.s32 @!p2 $0x0  }
0x1d: {  	s5 =	simm.s32 @p1 $0x1;
	p0 =	seq.s32 s7, s2  }
0x1e: {  	s7 =	smul.u32 @!p0 $0xF7A, s2;
	p2 =	seq.s32 @!p0 s5, $0x0  }
0x1f: {  	s9 =	smul.u32 $0xF7A, s1;
	s8 =	simm.s32 @!p0 $0x1BF5;
	p2 =	por !p2, p0  }
0x20: {  	[sflag:s8] =	ssyncset.s32 @!p0 $0xFFFFF086;
	s6 =	sadd.s32 @!p0 s3, s7;
	s7 =	simm.s32 @!p0 $0x108  }
0x21: {  	s3 =	sadd.s32 s3, s9;
	s6 =	sadd.s32 @!p0 $0x88, s6;
	s7 =	simm.s32 @p2 $0x1082  }
0x22: {  	[simem:s7], [sflag:s8] =	dma.local @!p0 [hbm:s6], $0xF7A  }
0x23: {  	s9 =	sor.u32 $0xD0000000, s2;
	s6 =	simm.s32 $0x108;
	_ =	swait.ge @!p0 [sflag:s8], $0x0  }
0x24: {  	s3 =	sadd.s32 $0x88, s3;
	s6 =	simm.s32 @!p1 $0x1082;
	[sflag:s4] =	ssyncset.s32 $0xFFFFF086  }
0x25: {  	[simem:s6], [sflag:s4] =	dma.local [hbm:s3], $0xF7A  }
0x26: {  	[smem:$0x3F99] =	sst s1;
	(tag) =	ssettag s2;
	_ =	strace s9  }
0x27: {  	s1 =	sld [smem:$0x3FA9]  }
0x28: {  	s2 =	sld [smem:$0x3FAA]  }
0x29: {  	s4 =	sld [smem:$0x3FAC]  }
0x2a: {  	p0 =	seq.s32 s5, $0x0;
	s5 =	sld [smem:$0x3FAD]  }
0x2b: {  	s6 =	sld [smem:$0x3FAE]  }
0x2c: {  	s7 =	sld [smem:$0x3FAF]  }
0x2d: {  	s3 =	simm.s32 $0x108;
	s8 =	sld [smem:$0x3FB0]  }
0x2e: {  	s3 =	simm.s32 @!p0 $0x1082;
	s9 =	sld [smem:$0x3FB1]  }
0x2f: {  	lr =	sadd.s32 s0, s3;
	s0 =	sld [smem:$0x3FA8]  }
0x30: {  	s3 =	sld [smem:$0x3FAB]  }
0x31: {  	[smem:$0x3FB4] =	sst s10  }
0x32: {  	s10 =	sld [smem:$0x3FB2];
	_ =	sdelay $0x3  }
0x33: {  	p0 =	seq.s32 s10, $0x1;
	s10 =	sld [smem:$0x3FB4];
	_ =	sdelay $0x3  }
0x34: {  	[smem:$0x3FB4] =	sst s10  }
0x35: {  	s10 =	sld [smem:$0x3FB3];
	_ =	sdelay $0x3  }
0x36: {  	p1 =	seq.s32 s10, $0x1;
	s10 =	sld [smem:$0x3FB4];
	_ =	sdelay $0x3  }
0x37: {  	[smem:$0x3FB4] =	sst s10  }
0x38: {  	s10 =	sld [smem:$0x3FB5]  }
0x39: {  	_ = 	snop;
	(pc) =	sbr.ind lr, $3  }
0x3a: {  	_ = 	snop  }
0x3b: {  	_ = 	snop  }
0x3c: {  	p2 =	seq.s32 s10, $0x1;
	s10 =	sld [smem:$0x3FB4]  }
0x3d: {  	_ =	shalt  }
0x3e: {  	_ =	shalt  }
0x3f: {  	_ =	shalt  }
0x40: {  	_ =	shalt  }
0x41: {  	_ =	shalt  }
0x42: {  	_ =	shalt  }
0x43: {  	_ =	shalt  }
0x44: {  	_ =	shalt  }
0x45: {  	_ =	shalt  }
0x46: {  	_ =	shalt  }
0x47: {  	_ =	shalt  }
0x48: {  	_ =	shalt  }
0x49: {  	_ =	shalt  }
0x4a: {  	_ =	shalt  }
0x4b: {  	_ =	shalt  }
0x4c: {  	_ =	shalt  }
0x4d: {  	_ =	shalt  }
0x4e: {  	_ =	shalt  }
0x4f: {  	_ =	shalt  }
0x50: {  	_ =	shalt  }
0x51: {  	_ =	shalt  }
0x52: {  	_ =	shalt  }
0x53: {  	_ =	shalt  }
0x54: {  	_ =	shalt  }
0x55: {  	_ =	shalt  }
0x56: {  	_ =	shalt  }
0x57: {  	_ =	shalt  }
0x58: {  	_ =	shalt  }
0x59: {  	_ =	shalt  }
0x5a: {  	_ =	shalt  }
0x5b: {  	_ =	shalt  }
0x5c: {  	_ =	shalt  }
0x5d: {  	_ =	shalt  }
0x5e: {  	_ =	shalt  }
0x5f: {  	_ =	shalt  }
0x60: {  	_ =	shalt  }
0x61: {  	_ =	shalt  }
0x62: {  	_ =	shalt  }
0x63: {  	_ =	shalt  }
0x64: {  	_ =	shalt  }
0x65: {  	_ =	shalt  }
0x66: {  	_ =	shalt  }
0x67: {  	_ =	shalt  }
0x68: {  	_ =	shalt  }
0x69: {  	_ =	shalt  }
0x6a: {  	_ =	shalt  }
0x6b: {  	_ =	shalt  }
0x6c: {  	_ =	shalt  }
0x6d: {  	_ =	shalt  }
0x6e: {  	_ =	shalt  }
0x6f: {  	_ =	shalt  }
0x70: {  	_ =	shalt  }
0x71: {  	_ =	shalt  }
0x72: {  	_ =	shalt  }
0x73: {  	_ =	shalt  }
0x74: {  	_ =	shalt  }
0x75: {  	_ =	shalt  }
0x76: {  	_ =	shalt  }
0x77: {  	_ =	shalt  }
0x78: {  	_ =	shalt  }
0x79: {  	_ =	shalt  }
0x7a: {  	_ =	shalt  }
0x7b: {  	_ =	shalt  }
0x7c: {  	_ =	shalt  }
0x7d: {  	_ =	shalt  }
0x7e: {  	_ =	shalt  }
0x7f: {  	_ =	shalt  }
0x80: {  	_ =	shalt  }
0x81: {  	_ =	shalt  }
0x82: {  	_ =	shalt  }
0x83: {  	_ =	shalt  }
0x84: {  	_ =	shalt  }
0x85: {  	_ =	shalt  }
0x86: {  	_ =	shalt  }
0x87: {  	_ =	shalt  }
.Lfunc_end0:
.L_simem_size_0:
called_computation_lowered:
.L_overlay_start_0:
0x88: {  	s2 =	sld [smem:$0x3FD9]  }
0x89: {  	s3 =	sld [smem:$0x3FFE];
	_ =	sdelay $0x1  }
0x8a: {  	s1 =	srdreg.scid  }
0x8b: {  	s0 =	sand.u32 $0x1, s1  }
0x8c: {  	s17 =	sshll.u32 s0, $0xA;
	s2 =	sadd.s32 s3, s2  }
0x8d: {  	s2 =	sadd.s32 s2, s17  }
0x8e: {  	[smem:$0x3FC0] =	sst s2  }
0x8f: {  	_ = 	snop  }
0x90: {  	s2 =	sld [smem:$0x3FD0];
	(tm) =	ssettm $0x1  }
0x91: {  	s18 =	sld [smem:$0x3FFB];
	_ =	sdelay $0x3  }
0x92: {  	_ =	strace s18  }
0x93: {  	s3 =	sld [smem:$0x3FFC];
	_ =	sdelay $0x3  }
0x94: {  	_ =	strace s3  }
0x95: {  	s3 =	sld [smem:$0x3FFD];
	_ =	sdelay $0x3  }
0x96: {  	_ =	strace s3  }
0x97: {  	_ =	strace $0x8FFFFFFF  }
0x98: {  	s19 =	sld [smem:$0x3FDB];
	_ =	sdelay $0x1  }
0x99: {  	s4 =	simm.s32 $_scs_section_size  }
0x9a: {  	s5 =	simm.s32 $_size__tile_overlayer_lowered;
	s6 =	simm.s32 $_tile_overlayer_lowered  }
0x9b: {  	s22 =	simm.s32 $0x1BFF;
	s21 =	sshll.u32 s6, $0x1;
	s3 =	sadd.s32 s4, s19  }
0x9c: {  	s7 =	simm.s32 $0x0;
	s20 =	sshll.u32 s5, $0x1;
	s5 =	sadd.s32 s21, s3  }
0x9d: {  	[timem:s7], [sflag:s22] =	dma.local [hbm:s5], s20  }
0x9e: {  	_ =	swait.ge [sflag:s22], s20  }
0x9f: {  	s4 =	ssub.s32 $0x0, s20;
	[sflag:s22] =	ssyncset.done $0x0  }
0xa0: {  	[sflag:s22] =	ssyncadd.s32 s4;
	_ =	sdelay $0x1  }
0xa1: {  	s23 =	simm.s32 $0x1B8B  }
0xa2: {  	_ =	swait.ge [sflag:s23], $0x1  }
0xa3: {  	[sflag:s23] =	ssyncset.done $0x0  }
0xa4: {  	s25 =	simm.s32 $0x1B8E;
	s24 =	sld [smem:$0x3FFE];
	[sflag:s23] =	ssyncadd.s32 $0xFFFFFFFF  }
0xa5: {  	s26 =	simm.s32 $execute0_lowered;
	[smem:$0x3FD2] =	sst s25  }
0xa6: {  	s5 =	sshll.u32 s26, $0x1;
	_ =	strace $0x80000046;
	[dreg:$0x1] =	wrdreg $0xFFFFFFFF  }
0xa7: {  	s28 =	simm.s32 $_size_execute0_lowered;
	s3 =	sadd.s32 s3, s5;
	[dreg:$0x0] =	wrdreg $0x0  }
0xa8: {  	s5 =	sshll.u32 s28, $0x1;
	[dreg:$0x2] =	wrdreg s3  }
0xa9: {  	[dreg:$0x3] =	wrdreg s5  }
0xaa: {  	[dreg:$0x4] =	wrdreg $0xC0  }
0xab: {  	_ =	task [dreg:s7], $0x5FFFF  }
0xac: {  	[dreg:$0x1] =	wrdreg $0xFFFFFFFF  }
0xad: {  	[dreg:$0x0] =	wrdreg $0x60  }
0xae: {  	[dreg:$0x2] =	wrdreg s24  }
0xaf: {  	[dreg:$0x3] =	wrdreg s2  }
0xb0: {  	[dreg:$0x4] =	wrdreg $0x68800  }
0xb1: {  	[dreg:$0x5] =	wrdreg $0x9  }
0xb2: {  	_ =	task.clear_ibuf [dreg:s7], $0x6FFFF;
	_ =	strace $0x90000046  }
0xb3: {  	s29 =	simm.s32 $0x9;
	_ =	strace $0x80000048  }
0xb4: {  	_ =	swait.ge [sflag:s29], $0x1  }
0xb5: {  	[sflag:s29] =	ssyncadd.s32 $0xFFFFFFFF  }
0xb6: {  	_ =	strace $0x90000048  }
0xb7: {  	_ =	sfence  }
0xb8: {  	s30 =	sld [smem:$0x0];
	_ =	sdelay $0x2  }
0xb9: {  	s31 =	sshll.u32 s1, $0xD;
	s1 =	sshrl.u32 s1, $0x2  }
0xba: {  	s3 =	sand.u32 $0x4000, s31;
	s1 =	sadd.s32 s1, s30  }
0xbb: {  	s0 =	sor.u32 s3, s0;
	s1 =	sshll.u32 s1, $0x11  }
0xbc: {  	s0 =	sor.u32 s1, s0  }
0xbd: {  	s0 =	sadd.s32 $0x8F2B, s0  }
0xbe: {  	[sflag:s0] =	ssyncadd.remote.s32 $0x1  }
0xbf: {  	_ =	sfence.sel $0xFFFF  }
0xc0: {  	[dreg:$0x0] =	wrdreg $0xFFFFFFFF;
	(pc) =	sbr.abs _section_cstart, $3  }
0xc1: {  	[dreg:$0x1] =	wrdreg $0xFFFFFFFF  }
0xc2: {  	_ =	task.clear_ibuf [dreg:s7], $0x2FFFF;
	_ =	strace $0x9FFFFFFF  }
0xc3: {  	(tm) =	ssettm $0x7FFFFFFF  }
tec
execute0_lowered:
.L_overlay_start_1:
0x0: {  	(tag) =	ssettag $0x1  }
0x1: {  	s5 =	rddreg [dreg:$0x0]  }
0x2: {  	s6 =	rddreg [dreg:$0x1]  }
0x3: {  	s1 =	rddreg [dreg:$0x2];
	s2 =	srdreg.scid  }
0x4: {  	s0 =	rddreg [dreg:$0x3];
	s8 =	stileid.u32  }
0x5: {  	s12 =	simm.s32 $0x6800;
	s13 =	simm.s32 $0x0;
	s3 =	sand.u32 $0x1, s2  }
0x6: {  	s2 =	simm.s32 $0x0;
	p0 =	sne.s32 s8, $0x0;
	s4 =	sshll.u32 s3, $0x4  }
0x7: {  	[smem:$0x7FF] =	sst s2;
	s7 =	smul.u32 $0x28000, s3;
	s9 =	ssub.s32 $0x2, s3  }
0x8: {  	s3 =	sadd.s32 $0x2BC00, s5;
	s4 =	sor.u32 s8, s4;
	_ =	strace $0x80000047  }
0x9: {  	s11 =	sshrl.u32 s9, $0x1;
	s8 =	simm.s32 $0x1;
	s10 =	smul.u32 $0x500, s4  }
0xa: {  	s4 =	sadd.s32 $0x3C00, s5;
	s7 =	sadd.s32 s7, s5;
	s9 =	ssub.s32 s9, s11  }
0xb: {  	s11 =	simm.s32 $0x80;
	s5 =	sadd.s32 s6, s10;
	s6 =	sadd.s32 $0x2C400, s7  }
0xc: {  	s7 =	smax.u32 s9, $0x1;
	s9 =	simm.s32 $0x2800;
	s10 =	sshrl.u32 @!p0 s1, $0x3  }
.LBB2_1:
0xd: {  	[tilespmem:s2], [sflag:$0x1] =	stream.linear.gather [hbm4b:s5+s2], $0x2800, $0x38;
	[tilespmem:$0x1A880] =	vst v63  }
0xe: {  	_ =	swait.ge [sflag:s8], $0x2800  }
0xf: {  	[sflag:s8] =	ssyncset.done $0x0  }
0x10: {  	[sflag:s8] =	ssyncadd.s32 $0xFFFFD800  }
0x11: {  	[tilespmem:s9], [sflag:$0x1] =	stream.linear.gather [hbm4b:s3+s2], $0x4000, $0x38;
	[tilespmem:$0x1A880] =	vst v63  }
0x12: {  	_ =	swait.ge [sflag:s8], $0x4000  }
0x13: {  	[sflag:s8] =	ssyncset.done $0x0  }
0x14: {  	s14 =	simm.s32 @!p0 $0x1C01;
	[sflag:s8] =	ssyncadd.s32 $0xFFFFC000  }
0x15: {  	[spmem:s10], [sflag:s14] =	dma.local @!p0 [hbm:s4], $0x28000  }
0x16: {  	s14 =	simm.s32 @!p0 $0x1  }
0x17: {  	_ =	swait.ge @!p0 [sflag:s14], $0x28000  }
0x18: {  	[sflag:s14] =	ssyncset.done @!p0 $0x0  }
0x19: {  	[sflag:s14] =	ssyncadd.s32 @!p0 $0xFFFD8000  }
0x1a: {  	s31 =	simm.s32 $0x0;
	[bflag:$0x0] =	sbarrier.arrive $0xFFFF  }
0x1b: {  	v0 =	vld [tilespmem:s31+$0x0];
	_ =	sdelay $0x4  }
0x1c: {  	[tilespmem:$0x6800] =	vst v0  }
0x1d: {  	v0 =	vld [tilespmem:s31+$0x10];
	_ =	sdelay $0x4  }
0x1e: {  	[tilespmem:$0x6810] =	vst v0  }
0x1f: {  	v0 =	vld [tilespmem:s31+$0x20];
	_ =	sdelay $0x4  }
0x20: {  	[tilespmem:$0x6820] =	vst v0  }
0x21: {  	v0 =	vld [tilespmem:s31+$0x30];
	_ =	sdelay $0x4  }
0x22: {  	[tilespmem:$0x6830] =	vst v0  }
0x23: {  	v0 =	vld [tilespmem:s31+$0x40];
	_ =	sdelay $0x4  }
0x24: {  	[tilespmem:$0x6840] =	vst v0  }
0x25: {  	v0 =	vld [tilespmem:s31+$0x50];
	_ =	sdelay $0x4  }
0x26: {  	[tilespmem:$0x6850] =	vst v0  }
0x27: {  	v0 =	vld [tilespmem:s31+$0x60];
	_ =	sdelay $0x4  }
0x28: {  	[tilespmem:$0x6860] =	vst v0  }
0x29: {  	v0 =	vld [tilespmem:s31+$0x70];
	_ =	sdelay $0x4  }
0x2a: {  	[tilespmem:$0x6870] =	vst v0  }
0x2b: {  	[spmem:s1] =	stream.indirect.scatter.add.f32 [tilespmem:s9], [sflag:$0x1], $0x80, s12, s11, $0xb8;
	[tilespmem:$0x1A880] =	vst v63  }
0x2c: {  	_ =	swait.ge [sflag:s8], $0x4000  }
0x2d: {  	s16 =	simm.s32 $0x400;
	s14 =	simm.s32 $0x200;
	[sflag:s8] =	ssyncset.done $0x0  }
.LBB2_2:
0x2e: {  	s17 =	sshra.s32 s14, $0x2  }
0x2f: {  	[sflag:s8] =	ssyncadd.s32 $0xFFFFC000;
	s14 =	smov.u32 s16;
	s15 =	sadd.s32 $0x200, s16  }
0x30: {  	p1 =	sne.s32 s16, $0x9E00;
	v0 =	vld [tilespmem:s17+$0x0];
	_ =	sdelay $0x4  }
0x31: {  	[tilespmem:$0x6800] =	vst v0  }
0x32: {  	v0 =	vld [tilespmem:s17+$0x10];
	_ =	sdelay $0x4  }
0x33: {  	[tilespmem:$0x6810] =	vst v0  }
0x34: {  	v0 =	vld [tilespmem:s17+$0x20];
	_ =	sdelay $0x4  }
0x35: {  	[tilespmem:$0x6820] =	vst v0  }
0x36: {  	v0 =	vld [tilespmem:s17+$0x30];
	_ =	sdelay $0x4  }
0x37: {  	[tilespmem:$0x6830] =	vst v0  }
0x38: {  	v0 =	vld [tilespmem:s17+$0x40];
	_ =	sdelay $0x4  }
0x39: {  	[tilespmem:$0x6840] =	vst v0  }
0x3a: {  	v0 =	vld [tilespmem:s17+$0x50];
	_ =	sdelay $0x4  }
0x3b: {  	[tilespmem:$0x6850] =	vst v0  }
0x3c: {  	v0 =	vld [tilespmem:s17+$0x60];
	_ =	sdelay $0x4  }
0x3d: {  	[tilespmem:$0x6860] =	vst v0  }
0x3e: {  	v0 =	vld [tilespmem:s17+$0x70];
	_ =	sdelay $0x3  }
.Ltmp0:
0x3f: {  	(pc) =	sbr.rel @p1 .LBB2_2-.Ltmp0, $4  }
0x40: {  	[tilespmem:$0x6870] =	vst v0  }
0x41: {  	[spmem:s1] =	stream.indirect.scatter.add.f32 [tilespmem:s9], [sflag:$0x1], $0x80, s12, s11, $0xb8;
	[tilespmem:$0x1A880] =	vst v63  }
0x42: {  	_ =	swait.ge [sflag:s8], $0x4000  }
0x43: {  	s16 =	smov.u32 s15;
	[sflag:s8] =	ssyncset.done $0x0  }
0x44: {  	s14 =	sshra.s32 s14, $0x2;
	[sflag:s8] =	ssyncadd.s32 $0xFFFFC000  }
0x45: {  	v0 =	vld [tilespmem:s14+$0x0];
	_ =	sdelay $0x4  }
0x46: {  	[tilespmem:$0x6800] =	vst v0  }
0x47: {  	v0 =	vld [tilespmem:s14+$0x10];
	_ =	sdelay $0x4  }
0x48: {  	[tilespmem:$0x6810] =	vst v0  }
0x49: {  	v0 =	vld [tilespmem:s14+$0x20];
	_ =	sdelay $0x4  }
0x4a: {  	[tilespmem:$0x6820] =	vst v0  }
0x4b: {  	v0 =	vld [tilespmem:s14+$0x30];
	_ =	sdelay $0x4  }
0x4c: {  	[tilespmem:$0x6830] =	vst v0  }
0x4d: {  	v0 =	vld [tilespmem:s14+$0x40];
	_ =	sdelay $0x4  }
0x4e: {  	[tilespmem:$0x6840] =	vst v0  }
0x4f: {  	v0 =	vld [tilespmem:s14+$0x50];
	_ =	sdelay $0x4  }
0x50: {  	[tilespmem:$0x6850] =	vst v0  }
0x51: {  	v0 =	vld [tilespmem:s14+$0x60];
	_ =	sdelay $0x4  }
0x52: {  	[tilespmem:$0x6860] =	vst v0  }
0x53: {  	v0 =	vld [tilespmem:s14+$0x70];
	_ =	sdelay $0x4  }
0x54: {  	[tilespmem:$0x6870] =	vst v0  }
0x55: {  	[spmem:s1] =	stream.indirect.scatter.add.f32 [tilespmem:s9], [sflag:$0x1], $0x80, s12, s11, $0xb8;
	[tilespmem:$0x1A880] =	vst v63  }
0x56: {  	_ =	swait.ge [sflag:s8], $0x4000  }
0x57: {  	[sflag:s8] =	ssyncset.done $0x0  }
0x58: {  	s13 =	sadd.s32 $0x1, s13;
	[sflag:s8] =	ssyncadd.s32 $0xFFFFC000  }
0x59: {  	p1 =	sne.s32 s13, s7;
	s14 =	simm.s32 @!p0 $0x1C01;
	[bflag:$0x0] =	sbarrier.arrive $0xFFFF  }
0x5a: {  	[hbm:s6], [sflag:s14] =	dma.local @!p0 [spmem:s10], $0x28000  }
.Ltmp1:
0x5b: {  	_ = 	snop;
	(pc) =	sbr.rel @p1 .LBB2_1-.Ltmp1, $4  }
0x5c: {  	s14 =	simm.s32 @!p0 $0x1  }
0x5d: {  	_ =	swait.ge @!p0 [sflag:s14], $0x28000  }
0x5e: {  	[sflag:s14] =	ssyncset.done @!p0 $0x0  }
0x5f: {  	[sflag:s14] =	ssyncadd.s32 @!p0 $0xFFFD8000  }
0x60: {  	_ =	sfence.sel $0x180000  }
0x61: {  	[bflag:$0x0] =	sbarrier.arrive $0xFFFF  }
0x62: {  	_ =	strace $0x90000047  }
0x63: {  	s0 =	sadd.s32 @!p0 $0x100000, s0;
	[bflag:$0x2] =	sbarrier.arrive $0xFFFF  }
0x64: {  	[sflag:s0] =	ssyncadd.tile.s32 @!p0 $0x1;
	_ =	shalt  }
.Lfunc_end2:
_tile_overlayer_lowered:
.L_overlay_start_2:
0x65: {  	(tag) =	ssettag $0x2  }
0x66: {  	s0 =	rddreg [dreg:$0x0];
	s2 =	stileid.u32  }
0x67: {  	s1 =	rddreg [dreg:$0x1];
	p0 =	sne.s32 s2, $0x0  }
0x68: {  	s3 =	rddreg [dreg:$0x2];
	[bflag:$0x3] =	sbarrier.arrive $0xFFFF;
	s2 =	simm.s32 @!p0 $0x1C01  }
0x69: {  	[timem:s3], [sflag:s2] =	dma.local @!p0 [hbm:s0], s1  }
0x6a: {  	s0 =	simm.s32 @!p0 $0x1  }
0x6b: {  	_ =	swait.ge @!p0 [sflag:s0], s1  }
0x6c: {  	s1 =	ssub.s32 @!p0 $0x0, s1;
	[sflag:s0] =	ssyncset.done @!p0 $0x0  }
0x6d: {  	[sflag:s0] =	ssyncadd.s32 @!p0 s1  }
0x6e: {  	[bflag:$0x3] =	sbarrier.arrive $0xFFFF  }
0x6f: {  	_ =	shalt  }

// kernel: kernel.14.cloned.1.call-start
scs
__scs_entry_jumppad:
0x0: {  	(pc) =	sbr.rel $0x88, $3  }
0x1: {  	(tag) =	ssettag $0x0;
	lr =	simm.s32 $0x1  }
0x2: {  	[smem:$0x3F99] =	sst lr;
	_ =	strace $0xD0000000  }
0x3: {  	_ = 	snop  }
0x4: {  	_ = 	snop  }
0x5: {  	_ = 	snop  }
0x6: {  	_ = 	snop  }
0x7: {  	_ = 	snop  }
__scs_overlays_trampoline_lowered:
0x8: {  	[smem:$0x3FA8] =	sst s0  }
0x9: {  	[smem:$0x3FA9] =	sst s1  }
0xa: {  	[smem:$0x3FAA] =	sst s2  }
0xb: {  	[smem:$0x3FAB] =	sst s3  }
0xc: {  	[smem:$0x3FAC] =	sst s4  }
0xd: {  	[smem:$0x3FAD] =	sst s5  }
0xe: {  	[smem:$0x3FAE] =	sst s6  }
0xf: {  	[smem:$0x3FAF] =	sst s7  }
0x10: {  	[smem:$0x3FB0] =	sst s8  }
0x11: {  	[smem:$0x3FB1] =	sst s9;
	s0 =	simm.s32 @!p0 $0x0  }
0x12: {  	s1 =	sld [smem:$0x3F97];
	s0 =	simm.s32 @p0 $0x1  }
0x13: {  	[smem:$0x3FB2] =	sst s0;
	s0 =	simm.s32 @!p1 $0x0  }
0x14: {  	s2 =	sld [smem:$0x3F96];
	s0 =	simm.s32 @p1 $0x1  }
0x15: {  	[smem:$0x3FB3] =	sst s0;
	s0 =	simm.s32 @!p2 $0x0  }
0x16: {  	s3 =	sld [smem:$0x3FDB];
	s0 =	simm.s32 @p2 $0x1  }
0x17: {  	s4 =	simm.s32 $0x1BF5;
	[smem:$0x3FB5] =	sst s0  }
0x18: {  	s0 =	sld [smem:$0x3F98];
	_ =	swait.ge [sflag:s4], $0x0  }
0x19: {  	s7 =	sld [smem:$0x3F99]  }
0x1a: {  	s8 =	sadd.s32 $0xFFFFE003, lr  }
0x1b: {  	s9 =	sadd.s32 $0xFFFFFEF7, lr;
	s5 =	simm.s32 $0xFFFFFFFF;
	p2 =	slt.u32 s8, $0xFFFFF086  }
0x1c: {  	p1 =	slt.u32 s9, $0xF7A;
	s5 =	simm.s32 @!p2 $0x0  }
0x1d: {  	s5 =	simm.s32 @p1 $0x1;
	p0 =	seq.s32 s7, s2  }
0x1e: {  	s7 =	smul.u32 @!p0 $0xF7A, s2;
	p2 =	seq.s32 @!p0 s5, $0x0  }
0x1f: {  	s9 =	smul.u32 $0xF7A, s1;
	s8 =	simm.s32 @!p0 $0x1BF5;
	p2 =	por !p2, p0  }
0x20: {  	[sflag:s8] =	ssyncset.s32 @!p0 $0xFFFFF086;
	s6 =	sadd.s32 @!p0 s3, s7;
	s7 =	simm.s32 @!p0 $0x108  }
0x21: {  	s3 =	sadd.s32 s3, s9;
	s6 =	sadd.s32 @!p0 $0x88, s6;
	s7 =	simm.s32 @p2 $0x1082  }
0x22: {  	[simem:s7], [sflag:s8] =	dma.local @!p0 [hbm:s6], $0xF7A  }
0x23: {  	s9 =	sor.u32 $0xD0000000, s2;
	s6 =	simm.s32 $0x108;
	_ =	swait.ge @!p0 [sflag:s8], $0x0  }
0x24: {  	s3 =	sadd.s32 $0x88, s3;
	s6 =	simm.s32 @!p1 $0x1082;
	[sflag:s4] =	ssyncset.s32 $0xFFFFF086  }
0x25: {  	[simem:s6], [sflag:s4] =	dma.local [hbm:s3], $0xF7A  }
0x26: {  	[smem:$0x3F99] =	sst s1;
	(tag) =	ssettag s2;
	_ =	strace s9  }
0x27: {  	s1 =	sld [smem:$0x3FA9]  }
0x28: {  	s2 =	sld [smem:$0x3FAA]  }
0x29: {  	s4 =	sld [smem:$0x3FAC]  }
0x2a: {  	p0 =	seq.s32 s5, $0x0;
	s5 =	sld [smem:$0x3FAD]  }
0x2b: {  	s6 =	sld [smem:$0x3FAE]  }
0x2c: {  	s7 =	sld [smem:$0x3FAF]  }
0x2d: {  	s3 =	simm.s32 $0x108;
	s8 =	sld [smem:$0x3FB0]  }
0x2e: {  	s3 =	simm.s32 @!p0 $0x1082;
	s9 =	sld [smem:$0x3FB1]  }
0x2f: {  	lr =	sadd.s32 s0, s3;
	s0 =	sld [smem:$0x3FA8]  }
0x30: {  	s3 =	sld [smem:$0x3FAB]  }
0x31: {  	[smem:$0x3FB4] =	sst s10  }
0x32: {  	s10 =	sld [smem:$0x3FB2];
	_ =	sdelay $0x3  }
0x33: {  	p0 =	seq.s32 s10, $0x1;
	s10 =	sld [smem:$0x3FB4];
	_ =	sdelay $0x3  }
0x34: {  	[smem:$0x3FB4] =	sst s10  }
0x35: {  	s10 =	sld [smem:$0x3FB3];
	_ =	sdelay $0x3  }
0x36: {  	p1 =	seq.s32 s10, $0x1;
	s10 =	sld [smem:$0x3FB4];
	_ =	sdelay $0x3  }
0x37: {  	[smem:$0x3FB4] =	sst s10  }
0x38: {  	s10 =	sld [smem:$0x3FB5]  }
0x39: {  	_ = 	snop;
	(pc) =	sbr.ind lr, $3  }
0x3a: {  	_ = 	snop  }
0x3b: {  	_ = 	snop  }
0x3c: {  	p2 =	seq.s32 s10, $0x1;
	s10 =	sld [smem:$0x3FB4]  }
0x3d: {  	_ =	shalt  }
0x3e: {  	_ =	shalt  }
0x3f: {  	_ =	shalt  }
0x40: {  	_ =	shalt  }
0x41: {  	_ =	shalt  }
0x42: {  	_ =	shalt  }
0x43: {  	_ =	shalt  }
0x44: {  	_ =	shalt  }
0x45: {  	_ =	shalt  }
0x46: {  	_ =	shalt  }
0x47: {  	_ =	shalt  }
0x48: {  	_ =	shalt  }
0x49: {  	_ =	shalt  }
0x4a: {  	_ =	shalt  }
0x4b: {  	_ =	shalt  }
0x4c: {  	_ =	shalt  }
0x4d: {  	_ =	shalt  }
0x4e: {  	_ =	shalt  }
0x4f: {  	_ =	shalt  }
0x50: {  	_ =	shalt  }
0x51: {  	_ =	shalt  }
0x52: {  	_ =	shalt  }
0x53: {  	_ =	shalt  }
0x54: {  	_ =	shalt  }
0x55: {  	_ =	shalt  }
0x56: {  	_ =	shalt  }
0x57: {  	_ =	shalt  }
0x58: {  	_ =	shalt  }
0x59: {  	_ =	shalt  }
0x5a: {  	_ =	shalt  }
0x5b: {  	_ =	shalt  }
0x5c: {  	_ =	shalt  }
0x5d: {  	_ =	shalt  }
0x5e: {  	_ =	shalt  }
0x5f: {  	_ =	shalt  }
0x60: {  	_ =	shalt  }
0x61: {  	_ =	shalt  }
0x62: {  	_ =	shalt  }
0x63: {  	_ =	shalt  }
0x64: {  	_ =	shalt  }
0x65: {  	_ =	shalt  }
0x66: {  	_ =	shalt  }
0x67: {  	_ =	shalt  }
0x68: {  	_ =	shalt  }
0x69: {  	_ =	shalt  }
0x6a: {  	_ =	shalt  }
0x6b: {  	_ =	shalt  }
0x6c: {  	_ =	shalt  }
0x6d: {  	_ =	shalt  }
0x6e: {  	_ =	shalt  }
0x6f: {  	_ =	shalt  }
0x70: {  	_ =	shalt  }
0x71: {  	_ =	shalt  }
0x72: {  	_ =	shalt  }
0x73: {  	_ =	shalt  }
0x74: {  	_ =	shalt  }
0x75: {  	_ =	shalt  }
0x76: {  	_ =	shalt  }
0x77: {  	_ =	shalt  }
0x78: {  	_ =	shalt  }
0x79: {  	_ =	shalt  }
0x7a: {  	_ =	shalt  }
0x7b: {  	_ =	shalt  }
0x7c: {  	_ =	shalt  }
0x7d: {  	_ =	shalt  }
0x7e: {  	_ =	shalt  }
0x7f: {  	_ =	shalt  }
0x80: {  	_ =	shalt  }
0x81: {  	_ =	shalt  }
0x82: {  	_ =	shalt  }
0x83: {  	_ =	shalt  }
0x84: {  	_ =	shalt  }
0x85: {  	_ =	shalt  }
0x86: {  	_ =	shalt  }
0x87: {  	_ =	shalt  }
.Lfunc_end0:
.L_simem_size_0:
called_computation.1_lowered:
.L_overlay_start_0:
0x88: {  	s2 =	sld [smem:$0x3FD9]  }
0x89: {  	s3 =	sld [smem:$0x3FFE];
	_ =	sdelay $0x1  }
0x8a: {  	s1 =	srdreg.scid  }
0x8b: {  	s0 =	sand.u32 $0x1, s1  }
0x8c: {  	s17 =	sshll.u32 s0, $0xA;
	s2 =	sadd.s32 s3, s2  }
0x8d: {  	s2 =	sadd.s32 s2, s17  }
0x8e: {  	[smem:$0x3FC0] =	sst s2  }
0x8f: {  	_ = 	snop  }
0x90: {  	(tm) =	ssettm $0x1  }
0x91: {  	s18 =	sld [smem:$0x3FFB];
	_ =	sdelay $0x3  }
0x92: {  	_ =	strace s18  }
0x93: {  	s2 =	sld [smem:$0x3FFC];
	_ =	sdelay $0x3  }
0x94: {  	_ =	strace s2  }
0x95: {  	s2 =	sld [smem:$0x3FFD];
	_ =	sdelay $0x3  }
0x96: {  	_ =	strace s2  }
0x97: {  	_ =	strace $0x8FFFFFFF  }
0x98: {  	s19 =	sld [smem:$0x3FDB];
	_ =	sdelay $0x1  }
0x99: {  	s20 =	simm.s32 $_scs_section_size  }
0x9a: {  	s4 =	simm.s32 $_size__tile_overlayer_lowered;
	s5 =	simm.s32 $_tile_overlayer_lowered  }
0x9b: {  	s6 =	simm.s32 $0x1BFF;
	s21 =	sshll.u32 s5, $0x1;
	s3 =	sadd.s32 s20, s19  }
0x9c: {  	s22 =	simm.s32 $0x0;
	s4 =	sshll.u32 s4, $0x1;
	s5 =	sadd.s32 s21, s3  }
0x9d: {  	[timem:s22], [sflag:s6] =	dma.local [hbm:s5], s4  }
0x9e: {  	_ =	swait.ge [sflag:s6], s4  }
0x9f: {  	s4 =	ssub.s32 $0x0, s4;
	[sflag:s6] =	ssyncset.done $0x0  }
0xa0: {  	[sflag:s6] =	ssyncadd.s32 s4;
	_ =	sdelay $0x1  }
0xa1: {  	s23 =	simm.s32 $0x1B8B  }
0xa2: {  	_ =	swait.ge [sflag:s23], $0x1  }
0xa3: {  	[sflag:s23] =	ssyncset.done $0x0  }
0xa4: {  	[sflag:s23] =	ssyncadd.s32 $0xFFFFFFFF  }
0xa5: {  	s4 =	sld [smem:$0x0]  }
0xa6: {  	s5 =	sand.u32 $0xFFFFFFFE, s1  }
0xa7: {  	p0 =	sne.s32 s1, s5  }
0xa8: {  	s5 =	sshll.u32 @p0 s5, $0xE  }
0xa9: {  	s5 =	sadd.s32 @p0 $0x11B8D, s5;
	s6 =	sshll.u32 @p0 s4, $0x11  }
0xaa: {  	s5 =	sor.u32 @p0 s6, s5  }
0xab: {  	[sflag:s5] =	ssyncadd.remote.s32 @p0 $0x1;
	_ =	sdelay $0x1  }
0xac: {  	s5 =	simm.s32 @p0 $0x1B8D  }
0xad: {  	_ =	swait.eq @p0 [sflag:s5], $0x1  }
0xae: {  	[sflag:s5] =	ssyncadd.s32 @p0 $0xFFFFFFFF  }
0xaf: {  	s6 =	sshll.u32 @!p0 s1, $0xE  }
0xb0: {  	s6 =	sor.u32 @!p0 $0x4000, s6;
	s5 =	simm.s32 @!p0 $0x1B8D  }
0xb1: {  	s4 =	sshll.u32 @!p0 s4, $0x11;
	s6 =	sadd.s32 @!p0 $0x11B8D, s6;
	_ =	swait.eq @!p0 [sflag:s5], $0x1  }
0xb2: {  	s4 =	sor.u32 @!p0 s4, s6;
	[sflag:s5] =	ssyncadd.s32 @!p0 $0xFFFFFFFF  }
0xb3: {  	s25 =	simm.s32 $0x1B8E;
	s24 =	sld [smem:$0x3FFE];
	[sflag:s4] =	ssyncadd.remote.s32 @!p0 $0x1  }
0xb4: {  	s26 =	simm.s32 $execute0_lowered;
	[smem:$0x3FD2] =	sst s25  }
0xb5: {  	s5 =	sshll.u32 s26, $0x1;
	_ =	strace $0x80000049;
	[dreg:$0x1] =	wrdreg $0xFFFFFFFF  }
0xb6: {  	s28 =	simm.s32 $_size_execute0_lowered;
	s3 =	sadd.s32 s3, s5;
	[dreg:$0x0] =	wrdreg $0x0  }
0xb7: {  	s5 =	sshll.u32 s28, $0x1;
	[dreg:$0x2] =	wrdreg s3  }
0xb8: {  	[dreg:$0x3] =	wrdreg s5  }
0xb9: {  	[dreg:$0x4] =	wrdreg $0xC0  }
0xba: {  	_ =	task [dreg:s22], $0x5FFFF  }
0xbb: {  	[dreg:$0x1] =	wrdreg $0xFFFFFFFF  }
0xbc: {  	[dreg:$0x0] =	wrdreg $0x60  }
0xbd: {  	[dreg:$0x2] =	wrdreg s24  }
0xbe: {  	[dreg:$0x3] =	wrdreg $0x68800  }
0xbf: {  	[dreg:$0x4] =	wrdreg $0xA  }
0xc0: {  	_ =	task.clear_ibuf [dreg:s22], $0x5FFFF;
	_ =	strace $0x90000049  }
0xc1: {  	s29 =	simm.s32 $0xA;
	_ =	strace $0x8000004B  }
0xc2: {  	_ =	swait.ge [sflag:s29], $0x1  }
0xc3: {  	[sflag:s29] =	ssyncadd.s32 $0xFFFFFFFF  }
0xc4: {  	_ =	strace $0x9000004B  }
0xc5: {  	_ =	sfence  }
0xc6: {  	s30 =	sld [smem:$0x0];
	_ =	sdelay $0x2  }
0xc7: {  	s31 =	sshll.u32 s1, $0xD;
	s1 =	sshrl.u32 s1, $0x2  }
0xc8: {  	s4 =	sand.u32 $0x4000, s31;
	s1 =	sadd.s32 s1, s30  }
0xc9: {  	s0 =	sor.u32 s4, s0;
	s1 =	sshll.u32 s1, $0x11  }
0xca: {  	s0 =	sor.u32 s1, s0  }
0xcb: {  	s0 =	sadd.s32 $0x8F2B, s0  }
0xcc: {  	[sflag:s0] =	ssyncadd.remote.s32 $0x1  }
0xcd: {  	_ =	sfence.sel $0xFFFF  }
0xce: {  	[dreg:$0x0] =	wrdreg $0xFFFFFFFF;
	(pc) =	sbr.abs _section_cstart, $3  }
0xcf: {  	[dreg:$0x1] =	wrdreg $0xFFFFFFFF  }
0xd0: {  	_ =	task.clear_ibuf [dreg:s22], $0x2FFFF;
	_ =	strace $0x9FFFFFFF  }
0xd1: {  	(tm) =	ssettm $0x7FFFFFFF  }
tec
execute0_lowered:
.L_overlay_start_1:
0x0: {  	(tag) =	ssettag $0x1  }
0x1: {  	s5 =	rddreg [dreg:$0x0]  }
0x2: {  	s1 =	rddreg [dreg:$0x1];
	s2 =	srdreg.scid  }
0x3: {  	s0 =	rddreg [dreg:$0x2];
	s8 =	stileid.u32;
	s11 =	simm.s32 $0x80  }
0x4: {  	s12 =	simm.s32 $0x6800;
	s13 =	simm.s32 $0x0;
	s4 =	sand.u32 $0x1, s2  }
0x5: {  	s2 =	simm.s32 $0x0;
	p0 =	sne.s32 s8, $0x0;
	s3 =	sshll.u32 s4, $0x4  }
0x6: {  	[smem:$0x7FF] =	sst s2;
	s7 =	smul.u32 $0x28000, s4;
	s3 =	sor.u32 s8, s3  }
0x7: {  	s9 =	ssub.s32 $0x2, s4;
	s4 =	sadd.s32 $0x3C00, s5;
	s6 =	smul.u32 $0x500, s3  }
0x8: {  	_ =	strace $0x8000004A;
	s10 =	sshrl.u32 s9, $0x1;
	s8 =	simm.s32 $0x1  }
0x9: {  	s3 =	sadd.s32 $0x2BC00, s5;
	s7 =	sadd.s32 s7, s5;
	s6 =	sadd.s32 s6, s5  }
0xa: {  	s9 =	ssub.s32 s9, s10;
	s10 =	sshrl.u32 @!p0 s1, $0x3;
	s5 =	sadd.s32 $0x7C400, s6  }
0xb: {  	s6 =	sadd.s32 $0x86400, s7;
	s7 =	smax.u32 s9, $0x1;
	s9 =	simm.s32 $0x2800  }
.LBB2_1:
0xc: {  	[tilespmem:s2], [sflag:$0x1] =	stream.linear.gather [hbm4b:s5+s2], $0x2800, $0x38;
	[tilespmem:$0x1A880] =	vst v63  }
0xd: {  	_ =	swait.ge [sflag:s8], $0x2800  }
0xe: {  	[sflag:s8] =	ssyncset.done $0x0  }
0xf: {  	[sflag:s8] =	ssyncadd.s32 $0xFFFFD800  }
0x10: {  	[tilespmem:s9], [sflag:$0x1] =	stream.linear.gather [hbm4b:s3+s2], $0x4000, $0x38;
	[tilespmem:$0x1A880] =	vst v63  }
0x11: {  	_ =	swait.ge [sflag:s8], $0x4000  }
0x12: {  	[sflag:s8] =	ssyncset.done $0x0  }
0x13: {  	s14 =	simm.s32 @!p0 $0x1C01;
	[sflag:s8] =	ssyncadd.s32 $0xFFFFC000  }
0x14: {  	[spmem:s10], [sflag:s14] =	dma.local @!p0 [hbm:s4], $0x28000  }
0x15: {  	s14 =	simm.s32 @!p0 $0x1  }
0x16: {  	_ =	swait.ge @!p0 [sflag:s14], $0x28000  }
0x17: {  	[sflag:s14] =	ssyncset.done @!p0 $0x0  }
0x18: {  	[sflag:s14] =	ssyncadd.s32 @!p0 $0xFFFD8000  }
0x19: {  	s31 =	simm.s32 $0x0;
	[bflag:$0x0] =	sbarrier.arrive $0xFFFF  }
0x1a: {  	v0 =	vld [tilespmem:s31+$0x0];
	_ =	sdelay $0x4  }
0x1b: {  	[tilespmem:$0x6800] =	vst v0  }
0x1c: {  	v0 =	vld [tilespmem:s31+$0x10];
	_ =	sdelay $0x4  }
0x1d: {  	[tilespmem:$0x6810] =	vst v0  }
0x1e: {  	v0 =	vld [tilespmem:s31+$0x20];
	_ =	sdelay $0x4  }
0x1f: {  	[tilespmem:$0x6820] =	vst v0  }
0x20: {  	v0 =	vld [tilespmem:s31+$0x30];
	_ =	sdelay $0x4  }
0x21: {  	[tilespmem:$0x6830] =	vst v0  }
0x22: {  	v0 =	vld [tilespmem:s31+$0x40];
	_ =	sdelay $0x4  }
0x23: {  	[tilespmem:$0x6840] =	vst v0  }
0x24: {  	v0 =	vld [tilespmem:s31+$0x50];
	_ =	sdelay $0x4  }
0x25: {  	[tilespmem:$0x6850] =	vst v0  }
0x26: {  	v0 =	vld [tilespmem:s31+$0x60];
	_ =	sdelay $0x4  }
0x27: {  	[tilespmem:$0x6860] =	vst v0  }
0x28: {  	v0 =	vld [tilespmem:s31+$0x70];
	_ =	sdelay $0x4  }
0x29: {  	[tilespmem:$0x6870] =	vst v0  }
0x2a: {  	[spmem:s1] =	stream.indirect.scatter.add.f32 [tilespmem:s9], [sflag:$0x1], $0x80, s12, s11, $0xb8;
	[tilespmem:$0x1A880] =	vst v63  }
0x2b: {  	_ =	swait.ge [sflag:s8], $0x4000  }
0x2c: {  	s16 =	simm.s32 $0x400;
	s14 =	simm.s32 $0x200;
	[sflag:s8] =	ssyncset.done $0x0  }
.LBB2_2:
0x2d: {  	s17 =	sshra.s32 s14, $0x2  }
0x2e: {  	[sflag:s8] =	ssyncadd.s32 $0xFFFFC000;
	s14 =	smov.u32 s16;
	s15 =	sadd.s32 $0x200, s16  }
0x2f: {  	p1 =	sne.s32 s16, $0x9E00;
	v0 =	vld [tilespmem:s17+$0x0];
	_ =	sdelay $0x4  }
0x30: {  	[tilespmem:$0x6800] =	vst v0  }
0x31: {  	v0 =	vld [tilespmem:s17+$0x10];
	_ =	sdelay $0x4  }
0x32: {  	[tilespmem:$0x6810] =	vst v0  }
0x33: {  	v0 =	vld [tilespmem:s17+$0x20];
	_ =	sdelay $0x4  }
0x34: {  	[tilespmem:$0x6820] =	vst v0  }
0x35: {  	v0 =	vld [tilespmem:s17+$0x30];
	_ =	sdelay $0x4  }
0x36: {  	[tilespmem:$0x6830] =	vst v0  }
0x37: {  	v0 =	vld [tilespmem:s17+$0x40];
	_ =	sdelay $0x4  }
0x38: {  	[tilespmem:$0x6840] =	vst v0  }
0x39: {  	v0 =	vld [tilespmem:s17+$0x50];
	_ =	sdelay $0x4  }
0x3a: {  	[tilespmem:$0x6850] =	vst v0  }
0x3b: {  	v0 =	vld [tilespmem:s17+$0x60];
	_ =	sdelay $0x4  }
0x3c: {  	[tilespmem:$0x6860] =	vst v0  }
0x3d: {  	v0 =	vld [tilespmem:s17+$0x70];
	_ =	sdelay $0x3  }
.Ltmp0:
0x3e: {  	(pc) =	sbr.rel @p1 .LBB2_2-.Ltmp0, $4  }
0x3f: {  	[tilespmem:$0x6870] =	vst v0  }
0x40: {  	[spmem:s1] =	stream.indirect.scatter.add.f32 [tilespmem:s9], [sflag:$0x1], $0x80, s12, s11, $0xb8;
	[tilespmem:$0x1A880] =	vst v63  }
0x41: {  	_ =	swait.ge [sflag:s8], $0x4000  }
0x42: {  	s16 =	smov.u32 s15;
	[sflag:s8] =	ssyncset.done $0x0  }
0x43: {  	s14 =	sshra.s32 s14, $0x2;
	[sflag:s8] =	ssyncadd.s32 $0xFFFFC000  }
0x44: {  	v0 =	vld [tilespmem:s14+$0x0];
	_ =	sdelay $0x4  }
0x45: {  	[tilespmem:$0x6800] =	vst v0  }
0x46: {  	v0 =	vld [tilespmem:s14+$0x10];
	_ =	sdelay $0x4  }
0x47: {  	[tilespmem:$0x6810] =	vst v0  }
0x48: {  	v0 =	vld [tilespmem:s14+$0x20];
	_ =	sdelay $0x4  }
0x49: {  	[tilespmem:$0x6820] =	vst v0  }
0x4a: {  	v0 =	vld [tilespmem:s14+$0x30];
	_ =	sdelay $0x4  }
0x4b: {  	[tilespmem:$0x6830] =	vst v0  }
0x4c: {  	v0 =	vld [tilespmem:s14+$0x40];
	_ =	sdelay $0x4  }
0x4d: {  	[tilespmem:$0x6840] =	vst v0  }
0x4e: {  	v0 =	vld [tilespmem:s14+$0x50];
	_ =	sdelay $0x4  }
0x4f: {  	[tilespmem:$0x6850] =	vst v0  }
0x50: {  	v0 =	vld [tilespmem:s14+$0x60];
	_ =	sdelay $0x4  }
0x51: {  	[tilespmem:$0x6860] =	vst v0  }
0x52: {  	v0 =	vld [tilespmem:s14+$0x70];
	_ =	sdelay $0x4  }
0x53: {  	[tilespmem:$0x6870] =	vst v0  }
0x54: {  	[spmem:s1] =	stream.indirect.scatter.add.f32 [tilespmem:s9], [sflag:$0x1], $0x80, s12, s11, $0xb8;
	[tilespmem:$0x1A880] =	vst v63  }
0x55: {  	_ =	swait.ge [sflag:s8], $0x4000  }
0x56: {  	[sflag:s8] =	ssyncset.done $0x0  }
0x57: {  	s13 =	sadd.s32 $0x1, s13;
	[sflag:s8] =	ssyncadd.s32 $0xFFFFC000  }
0x58: {  	p1 =	sne.s32 s13, s7;
	s14 =	simm.s32 @!p0 $0x1C01;
	[bflag:$0x0] =	sbarrier.arrive $0xFFFF  }
0x59: {  	[hbm:s6], [sflag:s14] =	dma.local @!p0 [spmem:s10], $0x28000  }
.Ltmp1:
0x5a: {  	_ = 	snop;
	(pc) =	sbr.rel @p1 .LBB2_1-.Ltmp1, $4  }
0x5b: {  	s14 =	simm.s32 @!p0 $0x1  }
0x5c: {  	_ =	swait.ge @!p0 [sflag:s14], $0x28000  }
0x5d: {  	[sflag:s14] =	ssyncset.done @!p0 $0x0  }
0x5e: {  	[sflag:s14] =	ssyncadd.s32 @!p0 $0xFFFD8000  }
0x5f: {  	_ =	sfence.sel $0x180000  }
0x60: {  	[bflag:$0x0] =	sbarrier.arrive $0xFFFF  }
0x61: {  	_ =	strace $0x9000004A  }
0x62: {  	s0 =	sadd.s32 @!p0 $0x100000, s0;
	[bflag:$0x2] =	sbarrier.arrive $0xFFFF  }
0x63: {  	[sflag:s0] =	ssyncadd.tile.s32 @!p0 $0x1;
	_ =	shalt  }
.Lfunc_end2:
_tile_overlayer_lowered:
.L_overlay_start_2:
0x64: {  	(tag) =	ssettag $0x2  }
0x65: {  	s0 =	rddreg [dreg:$0x0];
	s2 =	stileid.u32  }
0x66: {  	s1 =	rddreg [dreg:$0x1];
	p0 =	sne.s32 s2, $0x0  }
0x67: {  	s3 =	rddreg [dreg:$0x2];
	[bflag:$0x3] =	sbarrier.arrive $0xFFFF;
	s2 =	simm.s32 @!p0 $0x1C01  }
0x68: {  	[timem:s3], [sflag:s2] =	dma.local @!p0 [hbm:s0], s1  }
0x69: {  	s0 =	simm.s32 @!p0 $0x1  }
0x6a: {  	_ =	swait.ge @!p0 [sflag:s0], s1  }
0x6b: {  	s1 =	ssub.s32 @!p0 $0x0, s1;
	[sflag:s0] =	ssyncset.done @!p0 $0x0  }
0x6c: {  	[sflag:s0] =	ssyncadd.s32 @!p0 s1  }
0x6d: {  	[bflag:$0x3] =	sbarrier.arrive $0xFFFF  }
0x6e: {  	_ =	shalt  }

// kernel: kernel.17.cloned.1.call-start
scs
__scs_entry_jumppad:
0x0: {  	(pc) =	sbr.rel $0x88, $3  }
0x1: {  	(tag) =	ssettag $0x0;
	lr =	simm.s32 $0x1  }
0x2: {  	[smem:$0x3F99] =	sst lr;
	_ =	strace $0xD0000000  }
0x3: {  	_ = 	snop  }
0x4: {  	_ = 	snop  }
0x5: {  	_ = 	snop  }
0x6: {  	_ = 	snop  }
0x7: {  	_ = 	snop  }
__scs_overlays_trampoline_lowered:
0x8: {  	[smem:$0x3FA8] =	sst s0  }
0x9: {  	[smem:$0x3FA9] =	sst s1  }
0xa: {  	[smem:$0x3FAA] =	sst s2  }
0xb: {  	[smem:$0x3FAB] =	sst s3  }
0xc: {  	[smem:$0x3FAC] =	sst s4  }
0xd: {  	[smem:$0x3FAD] =	sst s5  }
0xe: {  	[smem:$0x3FAE] =	sst s6  }
0xf: {  	[smem:$0x3FAF] =	sst s7  }
0x10: {  	[smem:$0x3FB0] =	sst s8  }
0x11: {  	[smem:$0x3FB1] =	sst s9;
	s0 =	simm.s32 @!p0 $0x0  }
0x12: {  	s1 =	sld [smem:$0x3F97];
	s0 =	simm.s32 @p0 $0x1  }
0x13: {  	[smem:$0x3FB2] =	sst s0;
	s0 =	simm.s32 @!p1 $0x0  }
0x14: {  	s2 =	sld [smem:$0x3F96];
	s0 =	simm.s32 @p1 $0x1  }
0x15: {  	[smem:$0x3FB3] =	sst s0;
	s0 =	simm.s32 @!p2 $0x0  }
0x16: {  	s3 =	sld [smem:$0x3FDB];
	s0 =	simm.s32 @p2 $0x1  }
0x17: {  	s4 =	simm.s32 $0x1BF5;
	[smem:$0x3FB5] =	sst s0  }
0x18: {  	s0 =	sld [smem:$0x3F98];
	_ =	swait.ge [sflag:s4], $0x0  }
0x19: {  	s7 =	sld [smem:$0x3F99]  }
0x1a: {  	s8 =	sadd.s32 $0xFFFFE003, lr  }
0x1b: {  	s9 =	sadd.s32 $0xFFFFFEF7, lr;
	s5 =	simm.s32 $0xFFFFFFFF;
	p2 =	slt.u32 s8, $0xFFFFF086  }
0x1c: {  	p1 =	slt.u32 s9, $0xF7A;
	s5 =	simm.s32 @!p2 $0x0  }
0x1d: {  	s5 =	simm.s32 @p1 $0x1;
	p0 =	seq.s32 s7, s2  }
0x1e: {  	s7 =	smul.u32 @!p0 $0xF7A, s2;
	p2 =	seq.s32 @!p0 s5, $0x0  }
0x1f: {  	s9 =	smul.u32 $0xF7A, s1;
	s8 =	simm.s32 @!p0 $0x1BF5;
	p2 =	por !p2, p0  }
0x20: {  	[sflag:s8] =	ssyncset.s32 @!p0 $0xFFFFF086;
	s6 =	sadd.s32 @!p0 s3, s7;
	s7 =	simm.s32 @!p0 $0x108  }
0x21: {  	s3 =	sadd.s32 s3, s9;
	s6 =	sadd.s32 @!p0 $0x88, s6;
	s7 =	simm.s32 @p2 $0x1082  }
0x22: {  	[simem:s7], [sflag:s8] =	dma.local @!p0 [hbm:s6], $0xF7A  }
0x23: {  	s9 =	sor.u32 $0xD0000000, s2;
	s6 =	simm.s32 $0x108;
	_ =	swait.ge @!p0 [sflag:s8], $0x0  }
0x24: {  	s3 =	sadd.s32 $0x88, s3;
	s6 =	simm.s32 @!p1 $0x1082;
	[sflag:s4] =	ssyncset.s32 $0xFFFFF086  }
0x25: {  	[simem:s6], [sflag:s4] =	dma.local [hbm:s3], $0xF7A  }
0x26: {  	[smem:$0x3F99] =	sst s1;
	(tag) =	ssettag s2;
	_ =	strace s9  }
0x27: {  	s1 =	sld [smem:$0x3FA9]  }
0x28: {  	s2 =	sld [smem:$0x3FAA]  }
0x29: {  	s4 =	sld [smem:$0x3FAC]  }
0x2a: {  	p0 =	seq.s32 s5, $0x0;
	s5 =	sld [smem:$0x3FAD]  }
0x2b: {  	s6 =	sld [smem:$0x3FAE]  }
0x2c: {  	s7 =	sld [smem:$0x3FAF]  }
0x2d: {  	s3 =	simm.s32 $0x108;
	s8 =	sld [smem:$0x3FB0]  }
0x2e: {  	s3 =	simm.s32 @!p0 $0x1082;
	s9 =	sld [smem:$0x3FB1]  }
0x2f: {  	lr =	sadd.s32 s0, s3;
	s0 =	sld [smem:$0x3FA8]  }
0x30: {  	s3 =	sld [smem:$0x3FAB]  }
0x31: {  	[smem:$0x3FB4] =	sst s10  }
0x32: {  	s10 =	sld [smem:$0x3FB2];
	_ =	sdelay $0x3  }
0x33: {  	p0 =	seq.s32 s10, $0x1;
	s10 =	sld [smem:$0x3FB4];
	_ =	sdelay $0x3  }
0x34: {  	[smem:$0x3FB4] =	sst s10  }
0x35: {  	s10 =	sld [smem:$0x3FB3];
	_ =	sdelay $0x3  }
0x36: {  	p1 =	seq.s32 s10, $0x1;
	s10 =	sld [smem:$0x3FB4];
	_ =	sdelay $0x3  }
0x37: {  	[smem:$0x3FB4] =	sst s10  }
0x38: {  	s10 =	sld [smem:$0x3FB5]  }
0x39: {  	_ = 	snop;
	(pc) =	sbr.ind lr, $3  }
0x3a: {  	_ = 	snop  }
0x3b: {  	_ = 	snop  }
0x3c: {  	p2 =	seq.s32 s10, $0x1;
	s10 =	sld [smem:$0x3FB4]  }
0x3d: {  	_ =	shalt  }
0x3e: {  	_ =	shalt  }
0x3f: {  	_ =	shalt  }
0x40: {  	_ =	shalt  }
0x41: {  	_ =	shalt  }
0x42: {  	_ =	shalt  }
0x43: {  	_ =	shalt  }
0x44: {  	_ =	shalt  }
0x45: {  	_ =	shalt  }
0x46: {  	_ =	shalt  }
0x47: {  	_ =	shalt  }
0x48: {  	_ =	shalt  }
0x49: {  	_ =	shalt  }
0x4a: {  	_ =	shalt  }
0x4b: {  	_ =	shalt  }
0x4c: {  	_ =	shalt  }
0x4d: {  	_ =	shalt  }
0x4e: {  	_ =	shalt  }
0x4f: {  	_ =	shalt  }
0x50: {  	_ =	shalt  }
0x51: {  	_ =	shalt  }
0x52: {  	_ =	shalt  }
0x53: {  	_ =	shalt  }
0x54: {  	_ =	shalt  }
0x55: {  	_ =	shalt  }
0x56: {  	_ =	shalt  }
0x57: {  	_ =	shalt  }
0x58: {  	_ =	shalt  }
0x59: {  	_ =	shalt  }
0x5a: {  	_ =	shalt  }
0x5b: {  	_ =	shalt  }
0x5c: {  	_ =	shalt  }
0x5d: {  	_ =	shalt  }
0x5e: {  	_ =	shalt  }
0x5f: {  	_ =	shalt  }
0x60: {  	_ =	shalt  }
0x61: {  	_ =	shalt  }
0x62: {  	_ =	shalt  }
0x63: {  	_ =	shalt  }
0x64: {  	_ =	shalt  }
0x65: {  	_ =	shalt  }
0x66: {  	_ =	shalt  }
0x67: {  	_ =	shalt  }
0x68: {  	_ =	shalt  }
0x69: {  	_ =	shalt  }
0x6a: {  	_ =	shalt  }
0x6b: {  	_ =	shalt  }
0x6c: {  	_ =	shalt  }
0x6d: {  	_ =	shalt  }
0x6e: {  	_ =	shalt  }
0x6f: {  	_ =	shalt  }
0x70: {  	_ =	shalt  }
0x71: {  	_ =	shalt  }
0x72: {  	_ =	shalt  }
0x73: {  	_ =	shalt  }
0x74: {  	_ =	shalt  }
0x75: {  	_ =	shalt  }
0x76: {  	_ =	shalt  }
0x77: {  	_ =	shalt  }
0x78: {  	_ =	shalt  }
0x79: {  	_ =	shalt  }
0x7a: {  	_ =	shalt  }
0x7b: {  	_ =	shalt  }
0x7c: {  	_ =	shalt  }
0x7d: {  	_ =	shalt  }
0x7e: {  	_ =	shalt  }
0x7f: {  	_ =	shalt  }
0x80: {  	_ =	shalt  }
0x81: {  	_ =	shalt  }
0x82: {  	_ =	shalt  }
0x83: {  	_ =	shalt  }
0x84: {  	_ =	shalt  }
0x85: {  	_ =	shalt  }
0x86: {  	_ =	shalt  }
0x87: {  	_ =	shalt  }
.Lfunc_end0:
.L_simem_size_0:
called_computation.2_lowered:
.L_overlay_start_0:
0x88: {  	s2 =	sld [smem:$0x3FD9]  }
0x89: {  	s3 =	sld [smem:$0x3FFE];
	_ =	sdelay $0x1  }
0x8a: {  	s1 =	srdreg.scid  }
0x8b: {  	s0 =	sand.u32 $0x1, s1  }
0x8c: {  	s17 =	sshll.u32 s0, $0xA;
	s2 =	sadd.s32 s3, s2  }
0x8d: {  	s2 =	sadd.s32 s2, s17  }
0x8e: {  	[smem:$0x3FC0] =	sst s2  }
0x8f: {  	_ = 	snop  }
0x90: {  	s2 =	sld [smem:$0x3FD0];
	(tm) =	ssettm $0x1  }
0x91: {  	s18 =	sld [smem:$0x3FFB];
	_ =	sdelay $0x3  }
0x92: {  	_ =	strace s18  }
0x93: {  	s3 =	sld [smem:$0x3FFC];
	_ =	sdelay $0x3  }
0x94: {  	_ =	strace s3  }
0x95: {  	s3 =	sld [smem:$0x3FFD];
	_ =	sdelay $0x3  }
0x96: {  	_ =	strace s3  }
0x97: {  	_ =	strace $0x8FFFFFFF  }
0x98: {  	s19 =	sld [smem:$0x3FDB];
	_ =	sdelay $0x1  }
0x99: {  	s4 =	simm.s32 $_scs_section_size  }
0x9a: {  	s5 =	simm.s32 $_size__tile_overlayer_lowered;
	s6 =	simm.s32 $_tile_overlayer_lowered  }
0x9b: {  	s22 =	simm.s32 $0x1BFF;
	s21 =	sshll.u32 s6, $0x1;
	s3 =	sadd.s32 s4, s19  }
0x9c: {  	s7 =	simm.s32 $0x0;
	s20 =	sshll.u32 s5, $0x1;
	s5 =	sadd.s32 s21, s3  }
0x9d: {  	[timem:s7], [sflag:s22] =	dma.local [hbm:s5], s20  }
0x9e: {  	_ =	swait.ge [sflag:s22], s20  }
0x9f: {  	s4 =	ssub.s32 $0x0, s20;
	[sflag:s22] =	ssyncset.done $0x0  }
0xa0: {  	[sflag:s22] =	ssyncadd.s32 s4;
	_ =	sdelay $0x1  }
0xa1: {  	s23 =	simm.s32 $0x1B8B  }
0xa2: {  	_ =	swait.ge [sflag:s23], $0x1  }
0xa3: {  	[sflag:s23] =	ssyncset.done $0x0  }
0xa4: {  	s25 =	simm.s32 $0x1B8E;
	s24 =	sld [smem:$0x3FFE];
	[sflag:s23] =	ssyncadd.s32 $0xFFFFFFFF  }
0xa5: {  	s26 =	simm.s32 $execute0_lowered;
	[smem:$0x3FD2] =	sst s25  }
0xa6: {  	s5 =	sshll.u32 s26, $0x1;
	_ =	strace $0x8000004C;
	[dreg:$0x1] =	wrdreg $0xFFFFFFFF  }
0xa7: {  	s28 =	simm.s32 $_size_execute0_lowered;
	s3 =	sadd.s32 s3, s5;
	[dreg:$0x0] =	wrdreg $0x0  }
0xa8: {  	s5 =	sshll.u32 s28, $0x1;
	[dreg:$0x2] =	wrdreg s3  }
0xa9: {  	[dreg:$0x3] =	wrdreg s5  }
0xaa: {  	[dreg:$0x4] =	wrdreg $0xC0  }
0xab: {  	_ =	task [dreg:s7], $0x5FFFF  }
0xac: {  	[dreg:$0x1] =	wrdreg $0xFFFFFFFF  }
0xad: {  	[dreg:$0x0] =	wrdreg $0x60  }
0xae: {  	[dreg:$0x2] =	wrdreg s24  }
0xaf: {  	[dreg:$0x3] =	wrdreg s2  }
0xb0: {  	[dreg:$0x4] =	wrdreg $0x90800  }
0xb1: {  	[dreg:$0x5] =	wrdreg $0x9  }
0xb2: {  	_ =	task.clear_ibuf [dreg:s7], $0x6FFFF;
	_ =	strace $0x9000004C  }
0xb3: {  	s29 =	simm.s32 $0x9;
	_ =	strace $0x8000004E  }
0xb4: {  	_ =	swait.ge [sflag:s29], $0x1  }
0xb5: {  	[sflag:s29] =	ssyncadd.s32 $0xFFFFFFFF  }
0xb6: {  	_ =	strace $0x9000004E  }
0xb7: {  	_ =	sfence  }
0xb8: {  	s30 =	sld [smem:$0x0];
	_ =	sdelay $0x2  }
0xb9: {  	s31 =	sshll.u32 s1, $0xD;
	s1 =	sshrl.u32 s1, $0x2  }
0xba: {  	s3 =	sand.u32 $0x4000, s31;
	s1 =	sadd.s32 s1, s30  }
0xbb: {  	s0 =	sor.u32 s3, s0;
	s1 =	sshll.u32 s1, $0x11  }
0xbc: {  	s0 =	sor.u32 s1, s0  }
0xbd: {  	s0 =	sadd.s32 $0x8F2B, s0  }
0xbe: {  	[sflag:s0] =	ssyncadd.remote.s32 $0x1  }
0xbf: {  	_ =	sfence.sel $0xFFFF  }
0xc0: {  	[dreg:$0x0] =	wrdreg $0xFFFFFFFF;
	(pc) =	sbr.abs _section_cstart, $3  }
0xc1: {  	[dreg:$0x1] =	wrdreg $0xFFFFFFFF  }
0xc2: {  	_ =	task.clear_ibuf [dreg:s7], $0x2FFFF;
	_ =	strace $0x9FFFFFFF  }
0xc3: {  	(tm) =	ssettm $0x7FFFFFFF  }
tec
execute0_lowered:
.L_overlay_start_1:
0x0: {  	(tag) =	ssettag $0x1  }
0x1: {  	s5 =	rddreg [dreg:$0x0]  }
0x2: {  	s0 =	srdreg.scid;
	s6 =	rddreg [dreg:$0x1]  }
0x3: {  	s1 =	rddreg [dreg:$0x2];
	s9 =	stileid.u32;
	s2 =	simm.s32 $0x0  }
0x4: {  	s13 =	simm.s32 $0x5000;
	s3 =	sand.u32 $0x1, s0;
	s0 =	rddreg [dreg:$0x3]  }
0x5: {  	s14 =	simm.s32 $0x9000;
	s15 =	simm.s32 $0x0;
	[smem:$0x7FF] =	sst s2  }
0x6: {  	p0 =	sne.s32 s9, $0x0;
	s4 =	sshll.u32 s3, $0x4;
	_ =	strace $0x8000004D  }
0x7: {  	s8 =	smul.u32 $0x28000, s3;
	s10 =	ssub.s32 $0x2, s3;
	s4 =	sor.u32 s9, s4  }
0x8: {  	s3 =	sadd.s32 $0x53C00, s5;
	s12 =	sshrl.u32 s10, $0x1;
	s7 =	smul.u32 $0x500, s4  }
0x9: {  	s9 =	simm.s32 $0x1;
	s4 =	sadd.s32 $0x3C00, s5;
	s8 =	sadd.s32 s8, s5  }
0xa: {  	s10 =	ssub.s32 s10, s12;
	s12 =	simm.s32 $0x80;
	s11 =	sadd.s32 s7, s5  }
0xb: {  	s6 =	sadd.s32 s6, s7;
	s7 =	sadd.s32 $0xFE400, s8;
	s8 =	smax.u32 s10, $0x1  }
0xc: {  	s10 =	simm.s32 $0x2800;
	s5 =	sadd.s32 $0x7C400, s11;
	s11 =	sshrl.u32 @!p0 s1, $0x3  }
.LBB2_1:
0xd: {  	[tilespmem:s2], [sflag:$0x1] =	stream.linear.gather [hbm4b:s5+s2], $0x2800, $0x38;
	[tilespmem:$0x1D080] =	vst v63  }
0xe: {  	_ =	swait.ge [sflag:s9], $0x2800  }
0xf: {  	[sflag:s9] =	ssyncset.done $0x0  }
0x10: {  	[sflag:s9] =	ssyncadd.s32 $0xFFFFD800  }
0x11: {  	[tilespmem:s10], [sflag:$0x1] =	stream.linear.gather [hbm4b:s6+s2], $0x2800, $0x38;
	[tilespmem:$0x1D080] =	vst v63  }
0x12: {  	_ =	swait.ge [sflag:s9], $0x2800  }
0x13: {  	[sflag:s9] =	ssyncset.done $0x0  }
0x14: {  	s16 =	simm.s32 @!p0 $0x1C01;
	[sflag:s9] =	ssyncadd.s32 $0xFFFFD800  }
0x15: {  	[spmem:s11], [sflag:s16] =	dma.local @!p0 [hbm:s4], $0x28000  }
0x16: {  	s16 =	simm.s32 @!p0 $0x1  }
0x17: {  	_ =	swait.ge @!p0 [sflag:s16], $0x28000  }
0x18: {  	[sflag:s16] =	ssyncset.done @!p0 $0x0  }
0x19: {  	[sflag:s16] =	ssyncadd.s32 @!p0 $0xFFFD8000  }
0x1a: {  	s31 =	simm.s32 $0x0;
	[bflag:$0x0] =	sbarrier.arrive $0xFFFF  }
0x1b: {  	[tilespmem:s13], [sflag:$0x1] =	stream.indirect.gather [hbm4b:s3+s12], $0x80, s31, s12, $0xb8;
	[tilespmem:$0x1D080] =	vst v63  }
0x1c: {  	_ =	swait.ge [sflag:s9], $0x4000  }
0x1d: {  	[sflag:s9] =	ssyncset.done $0x0  }
0x1e: {  	[sflag:s9] =	ssyncadd.s32 $0xFFFFC000  }
0x1f: {  	v0 =	vld [tilespmem:s31+$0x2800];
	_ =	sdelay $0x4  }
0x20: {  	[tilespmem:$0x9000] =	vst v0  }
0x21: {  	v0 =	vld [tilespmem:s31+$0x2810];
	_ =	sdelay $0x4  }
0x22: {  	[tilespmem:$0x9010] =	vst v0  }
0x23: {  	v0 =	vld [tilespmem:s31+$0x2820];
	_ =	sdelay $0x4  }
0x24: {  	[tilespmem:$0x9020] =	vst v0  }
0x25: {  	v0 =	vld [tilespmem:s31+$0x2830];
	_ =	sdelay $0x4  }
0x26: {  	[tilespmem:$0x9030] =	vst v0  }
0x27: {  	v0 =	vld [tilespmem:s31+$0x2840];
	_ =	sdelay $0x4  }
0x28: {  	[tilespmem:$0x9040] =	vst v0  }
0x29: {  	v0 =	vld [tilespmem:s31+$0x2850];
	_ =	sdelay $0x4  }
0x2a: {  	[tilespmem:$0x9050] =	vst v0  }
0x2b: {  	v0 =	vld [tilespmem:s31+$0x2860];
	_ =	sdelay $0x4  }
0x2c: {  	[tilespmem:$0x9060] =	vst v0  }
0x2d: {  	v0 =	vld [tilespmem:s31+$0x2870];
	_ =	sdelay $0x4  }
0x2e: {  	[tilespmem:$0x9070] =	vst v0  }
0x2f: {  	[spmem:s1] =	stream.indirect.scatter.add.f32 [tilespmem:s13], [sflag:$0x1], $0x80, s14, s12, $0xb8;
	[tilespmem:$0x1D080] =	vst v63  }
0x30: {  	_ =	swait.ge [sflag:s9], $0x4000  }
0x31: {  	s19 =	simm.s32 $0x400;
	s16 =	simm.s32 $0x200;
	[sflag:s9] =	ssyncset.done $0x0  }
.LBB2_2:
0x32: {  	s18 =	sshra.s32 s16, $0x2  }
0x33: {  	[sflag:s9] =	ssyncadd.s32 $0xFFFFC000;
	s16 =	smov.u32 s19;
	s17 =	sadd.s32 $0x200, s19  }
0x34: {  	[tilespmem:s13], [sflag:$0x1] =	stream.indirect.gather [hbm4b:s3+s12], $0x80, s18, s12, $0xb8;
	[tilespmem:$0x1D080] =	vst v63  }
0x35: {  	p1 =	sne.s32 s19, $0x9E00;
	_ =	swait.ge [sflag:s9], $0x4000  }
0x36: {  	[sflag:s9] =	ssyncset.done $0x0  }
0x37: {  	[sflag:s9] =	ssyncadd.s32 $0xFFFFC000  }
0x38: {  	v0 =	vld [tilespmem:s18+$0x2800];
	_ =	sdelay $0x4  }
0x39: {  	[tilespmem:$0x9000] =	vst v0  }
0x3a: {  	v0 =	vld [tilespmem:s18+$0x2810];
	_ =	sdelay $0x4  }
0x3b: {  	[tilespmem:$0x9010] =	vst v0  }
0x3c: {  	v0 =	vld [tilespmem:s18+$0x2820];
	_ =	sdelay $0x4  }
0x3d: {  	[tilespmem:$0x9020] =	vst v0  }
0x3e: {  	v0 =	vld [tilespmem:s18+$0x2830];
	_ =	sdelay $0x4  }
0x3f: {  	[tilespmem:$0x9030] =	vst v0  }
0x40: {  	v0 =	vld [tilespmem:s18+$0x2840];
	_ =	sdelay $0x4  }
0x41: {  	[tilespmem:$0x9040] =	vst v0  }
0x42: {  	v0 =	vld [tilespmem:s18+$0x2850];
	_ =	sdelay $0x4  }
0x43: {  	[tilespmem:$0x9050] =	vst v0  }
0x44: {  	v0 =	vld [tilespmem:s18+$0x2860];
	_ =	sdelay $0x4  }
0x45: {  	[tilespmem:$0x9060] =	vst v0  }
0x46: {  	v0 =	vld [tilespmem:s18+$0x2870];
	_ =	sdelay $0x3  }
.Ltmp0:
0x47: {  	(pc) =	sbr.rel @p1 .LBB2_2-.Ltmp0, $4  }
0x48: {  	[tilespmem:$0x9070] =	vst v0  }
0x49: {  	[spmem:s1] =	stream.indirect.scatter.add.f32 [tilespmem:s13], [sflag:$0x1], $0x80, s14, s12, $0xb8;
	[tilespmem:$0x1D080] =	vst v63  }
0x4a: {  	_ =	swait.ge [sflag:s9], $0x4000  }
0x4b: {  	s19 =	smov.u32 s17;
	[sflag:s9] =	ssyncset.done $0x0  }
0x4c: {  	s16 =	sshra.s32 s16, $0x2;
	[sflag:s9] =	ssyncadd.s32 $0xFFFFC000  }
0x4d: {  	[tilespmem:s13], [sflag:$0x1] =	stream.indirect.gather [hbm4b:s3+s12], $0x80, s16, s12, $0xb8;
	[tilespmem:$0x1D080] =	vst v63  }
0x4e: {  	_ =	swait.ge [sflag:s9], $0x4000  }
0x4f: {  	[sflag:s9] =	ssyncset.done $0x0  }
0x50: {  	[sflag:s9] =	ssyncadd.s32 $0xFFFFC000  }
0x51: {  	v0 =	vld [tilespmem:s16+$0x2800];
	_ =	sdelay $0x4  }
0x52: {  	[tilespmem:$0x9000] =	vst v0  }
0x53: {  	v0 =	vld [tilespmem:s16+$0x2810];
	_ =	sdelay $0x4  }
0x54: {  	[tilespmem:$0x9010] =	vst v0  }
0x55: {  	v0 =	vld [tilespmem:s16+$0x2820];
	_ =	sdelay $0x4  }
0x56: {  	[tilespmem:$0x9020] =	vst v0  }
0x57: {  	v0 =	vld [tilespmem:s16+$0x2830];
	_ =	sdelay $0x4  }
0x58: {  	[tilespmem:$0x9030] =	vst v0  }
0x59: {  	v0 =	vld [tilespmem:s16+$0x2840];
	_ =	sdelay $0x4  }
0x5a: {  	[tilespmem:$0x9040] =	vst v0  }
0x5b: {  	v0 =	vld [tilespmem:s16+$0x2850];
	_ =	sdelay $0x4  }
0x5c: {  	[tilespmem:$0x9050] =	vst v0  }
0x5d: {  	v0 =	vld [tilespmem:s16+$0x2860];
	_ =	sdelay $0x4  }
0x5e: {  	[tilespmem:$0x9060] =	vst v0  }
0x5f: {  	v0 =	vld [tilespmem:s16+$0x2870];
	_ =	sdelay $0x4  }
0x60: {  	[tilespmem:$0x9070] =	vst v0  }
0x61: {  	[spmem:s1] =	stream.indirect.scatter.add.f32 [tilespmem:s13], [sflag:$0x1], $0x80, s14, s12, $0xb8;
	[tilespmem:$0x1D080] =	vst v63  }
0x62: {  	_ =	swait.ge [sflag:s9], $0x4000  }
0x63: {  	[sflag:s9] =	ssyncset.done $0x0  }
0x64: {  	s15 =	sadd.s32 $0x1, s15;
	[sflag:s9] =	ssyncadd.s32 $0xFFFFC000  }
0x65: {  	p1 =	sne.s32 s15, s8;
	s16 =	simm.s32 @!p0 $0x1C01;
	[bflag:$0x0] =	sbarrier.arrive $0xFFFF  }
0x66: {  	[hbm:s7], [sflag:s16] =	dma.local @!p0 [spmem:s11], $0x28000  }
.Ltmp1:
0x67: {  	_ = 	snop;
	(pc) =	sbr.rel @p1 .LBB2_1-.Ltmp1, $4  }
0x68: {  	s16 =	simm.s32 @!p0 $0x1  }
0x69: {  	_ =	swait.ge @!p0 [sflag:s16], $0x28000  }
0x6a: {  	[sflag:s16] =	ssyncset.done @!p0 $0x0  }
0x6b: {  	[sflag:s16] =	ssyncadd.s32 @!p0 $0xFFFD8000  }
0x6c: {  	_ =	sfence.sel $0x180000  }
0x6d: {  	[bflag:$0x0] =	sbarrier.arrive $0xFFFF  }
0x6e: {  	_ =	strace $0x9000004D  }
0x6f: {  	s0 =	sadd.s32 @!p0 $0x100000, s0;
	[bflag:$0x2] =	sbarrier.arrive $0xFFFF  }
0x70: {  	[sflag:s0] =	ssyncadd.tile.s32 @!p0 $0x1;
	_ =	shalt  }
.Lfunc_end2:
_tile_overlayer_lowered:
.L_overlay_start_2:
0x71: {  	(tag) =	ssettag $0x2  }
0x72: {  	s0 =	rddreg [dreg:$0x0];
	s2 =	stileid.u32  }
0x73: {  	s1 =	rddreg [dreg:$0x1];
	p0 =	sne.s32 s2, $0x0  }
0x74: {  	s3 =	rddreg [dreg:$0x2];
	[bflag:$0x3] =	sbarrier.arrive $0xFFFF;
	s2 =	simm.s32 @!p0 $0x1C01  }
0x75: {  	[timem:s3], [sflag:s2] =	dma.local @!p0 [hbm:s0], s1  }
0x76: {  	s0 =	simm.s32 @!p0 $0x1  }
0x77: {  	_ =	swait.ge @!p0 [sflag:s0], s1  }
0x78: {  	s1 =	ssub.s32 @!p0 $0x0, s1;
	[sflag:s0] =	ssyncset.done @!p0 $0x0  }
0x79: {  	[sflag:s0] =	ssyncadd.s32 @!p0 s1  }
0x7a: {  	[bflag:$0x3] =	sbarrier.arrive $0xFFFF  }
0x7b: {  	_ =	shalt  }

// kernel: kernel.20.cloned.1.call-start
scs
__scs_entry_jumppad:
0x0: {  	(pc) =	sbr.rel $0x88, $3  }
0x1: {  	(tag) =	ssettag $0x0;
	lr =	simm.s32 $0x1  }
0x2: {  	[smem:$0x3F99] =	sst lr;
	_ =	strace $0xD0000000  }
0x3: {  	_ = 	snop  }
0x4: {  	_ = 	snop  }
0x5: {  	_ = 	snop  }
0x6: {  	_ = 	snop  }
0x7: {  	_ = 	snop  }
__scs_overlays_trampoline_lowered:
0x8: {  	[smem:$0x3FA8] =	sst s0  }
0x9: {  	[smem:$0x3FA9] =	sst s1  }
0xa: {  	[smem:$0x3FAA] =	sst s2  }
0xb: {  	[smem:$0x3FAB] =	sst s3  }
0xc: {  	[smem:$0x3FAC] =	sst s4  }
0xd: {  	[smem:$0x3FAD] =	sst s5  }
0xe: {  	[smem:$0x3FAE] =	sst s6  }
0xf: {  	[smem:$0x3FAF] =	sst s7  }
0x10: {  	[smem:$0x3FB0] =	sst s8  }
0x11: {  	[smem:$0x3FB1] =	sst s9;
	s0 =	simm.s32 @!p0 $0x0  }
0x12: {  	s1 =	sld [smem:$0x3F97];
	s0 =	simm.s32 @p0 $0x1  }
0x13: {  	[smem:$0x3FB2] =	sst s0;
	s0 =	simm.s32 @!p1 $0x0  }
0x14: {  	s2 =	sld [smem:$0x3F96];
	s0 =	simm.s32 @p1 $0x1  }
0x15: {  	[smem:$0x3FB3] =	sst s0;
	s0 =	simm.s32 @!p2 $0x0  }
0x16: {  	s3 =	sld [smem:$0x3FDB];
	s0 =	simm.s32 @p2 $0x1  }
0x17: {  	s4 =	simm.s32 $0x1BF5;
	[smem:$0x3FB5] =	sst s0  }
0x18: {  	s0 =	sld [smem:$0x3F98];
	_ =	swait.ge [sflag:s4], $0x0  }
0x19: {  	s7 =	sld [smem:$0x3F99]  }
0x1a: {  	s8 =	sadd.s32 $0xFFFFE003, lr  }
0x1b: {  	s9 =	sadd.s32 $0xFFFFFEF7, lr;
	s5 =	simm.s32 $0xFFFFFFFF;
	p2 =	slt.u32 s8, $0xFFFFF086  }
0x1c: {  	p1 =	slt.u32 s9, $0xF7A;
	s5 =	simm.s32 @!p2 $0x0  }
0x1d: {  	s5 =	simm.s32 @p1 $0x1;
	p0 =	seq.s32 s7, s2  }
0x1e: {  	s7 =	smul.u32 @!p0 $0xF7A, s2;
	p2 =	seq.s32 @!p0 s5, $0x0  }
0x1f: {  	s9 =	smul.u32 $0xF7A, s1;
	s8 =	simm.s32 @!p0 $0x1BF5;
	p2 =	por !p2, p0  }
0x20: {  	[sflag:s8] =	ssyncset.s32 @!p0 $0xFFFFF086;
	s6 =	sadd.s32 @!p0 s3, s7;
	s7 =	simm.s32 @!p0 $0x108  }
0x21: {  	s3 =	sadd.s32 s3, s9;
	s6 =	sadd.s32 @!p0 $0x88, s6;
	s7 =	simm.s32 @p2 $0x1082  }
0x22: {  	[simem:s7], [sflag:s8] =	dma.local @!p0 [hbm:s6], $0xF7A  }
0x23: {  	s9 =	sor.u32 $0xD0000000, s2;
	s6 =	simm.s32 $0x108;
	_ =	swait.ge @!p0 [sflag:s8], $0x0  }
0x24: {  	s3 =	sadd.s32 $0x88, s3;
	s6 =	simm.s32 @!p1 $0x1082;
	[sflag:s4] =	ssyncset.s32 $0xFFFFF086  }
0x25: {  	[simem:s6], [sflag:s4] =	dma.local [hbm:s3], $0xF7A  }
0x26: {  	[smem:$0x3F99] =	sst s1;
	(tag) =	ssettag s2;
	_ =	strace s9  }
0x27: {  	s1 =	sld [smem:$0x3FA9]  }
0x28: {  	s2 =	sld [smem:$0x3FAA]  }
0x29: {  	s4 =	sld [smem:$0x3FAC]  }
0x2a: {  	p0 =	seq.s32 s5, $0x0;
	s5 =	sld [smem:$0x3FAD]  }
0x2b: {  	s6 =	sld [smem:$0x3FAE]  }
0x2c: {  	s7 =	sld [smem:$0x3FAF]  }
0x2d: {  	s3 =	simm.s32 $0x108;
	s8 =	sld [smem:$0x3FB0]  }
0x2e: {  	s3 =	simm.s32 @!p0 $0x1082;
	s9 =	sld [smem:$0x3FB1]  }
0x2f: {  	lr =	sadd.s32 s0, s3;
	s0 =	sld [smem:$0x3FA8]  }
0x30: {  	s3 =	sld [smem:$0x3FAB]  }
0x31: {  	[smem:$0x3FB4] =	sst s10  }
0x32: {  	s10 =	sld [smem:$0x3FB2];
	_ =	sdelay $0x3  }
0x33: {  	p0 =	seq.s32 s10, $0x1;
	s10 =	sld [smem:$0x3FB4];
	_ =	sdelay $0x3  }
0x34: {  	[smem:$0x3FB4] =	sst s10  }
0x35: {  	s10 =	sld [smem:$0x3FB3];
	_ =	sdelay $0x3  }
0x36: {  	p1 =	seq.s32 s10, $0x1;
	s10 =	sld [smem:$0x3FB4];
	_ =	sdelay $0x3  }
0x37: {  	[smem:$0x3FB4] =	sst s10  }
0x38: {  	s10 =	sld [smem:$0x3FB5]  }
0x39: {  	_ = 	snop;
	(pc) =	sbr.ind lr, $3  }
0x3a: {  	_ = 	snop  }
0x3b: {  	_ = 	snop  }
0x3c: {  	p2 =	seq.s32 s10, $0x1;
	s10 =	sld [smem:$0x3FB4]  }
0x3d: {  	_ =	shalt  }
0x3e: {  	_ =	shalt  }
0x3f: {  	_ =	shalt  }
0x40: {  	_ =	shalt  }
0x41: {  	_ =	shalt  }
0x42: {  	_ =	shalt  }
0x43: {  	_ =	shalt  }
0x44: {  	_ =	shalt  }
0x45: {  	_ =	shalt  }
0x46: {  	_ =	shalt  }
0x47: {  	_ =	shalt  }
0x48: {  	_ =	shalt  }
0x49: {  	_ =	shalt  }
0x4a: {  	_ =	shalt  }
0x4b: {  	_ =	shalt  }
0x4c: {  	_ =	shalt  }
0x4d: {  	_ =	shalt  }
0x4e: {  	_ =	shalt  }
0x4f: {  	_ =	shalt  }
0x50: {  	_ =	shalt  }
0x51: {  	_ =	shalt  }
0x52: {  	_ =	shalt  }
0x53: {  	_ =	shalt  }
0x54: {  	_ =	shalt  }
0x55: {  	_ =	shalt  }
0x56: {  	_ =	shalt  }
0x57: {  	_ =	shalt  }
0x58: {  	_ =	shalt  }
0x59: {  	_ =	shalt  }
0x5a: {  	_ =	shalt  }
0x5b: {  	_ =	shalt  }
0x5c: {  	_ =	shalt  }
0x5d: {  	_ =	shalt  }
0x5e: {  	_ =	shalt  }
0x5f: {  	_ =	shalt  }
0x60: {  	_ =	shalt  }
0x61: {  	_ =	shalt  }
0x62: {  	_ =	shalt  }
0x63: {  	_ =	shalt  }
0x64: {  	_ =	shalt  }
0x65: {  	_ =	shalt  }
0x66: {  	_ =	shalt  }
0x67: {  	_ =	shalt  }
0x68: {  	_ =	shalt  }
0x69: {  	_ =	shalt  }
0x6a: {  	_ =	shalt  }
0x6b: {  	_ =	shalt  }
0x6c: {  	_ =	shalt  }
0x6d: {  	_ =	shalt  }
0x6e: {  	_ =	shalt  }
0x6f: {  	_ =	shalt  }
0x70: {  	_ =	shalt  }
0x71: {  	_ =	shalt  }
0x72: {  	_ =	shalt  }
0x73: {  	_ =	shalt  }
0x74: {  	_ =	shalt  }
0x75: {  	_ =	shalt  }
0x76: {  	_ =	shalt  }
0x77: {  	_ =	shalt  }
0x78: {  	_ =	shalt  }
0x79: {  	_ =	shalt  }
0x7a: {  	_ =	shalt  }
0x7b: {  	_ =	shalt  }
0x7c: {  	_ =	shalt  }
0x7d: {  	_ =	shalt  }
0x7e: {  	_ =	shalt  }
0x7f: {  	_ =	shalt  }
0x80: {  	_ =	shalt  }
0x81: {  	_ =	shalt  }
0x82: {  	_ =	shalt  }
0x83: {  	_ =	shalt  }
0x84: {  	_ =	shalt  }
0x85: {  	_ =	shalt  }
0x86: {  	_ =	shalt  }
0x87: {  	_ =	shalt  }
.Lfunc_end0:
.L_simem_size_0:
called_computation.3_lowered:
.L_overlay_start_0:
0x88: {  	s2 =	sld [smem:$0x3FD9]  }
0x89: {  	s3 =	sld [smem:$0x3FFE];
	_ =	sdelay $0x1  }
0x8a: {  	s1 =	srdreg.scid  }
0x8b: {  	s0 =	sand.u32 $0x1, s1  }
0x8c: {  	s17 =	sshll.u32 s0, $0xA;
	s2 =	sadd.s32 s3, s2  }
0x8d: {  	s2 =	sadd.s32 s2, s17  }
0x8e: {  	[smem:$0x3FC0] =	sst s2  }
0x8f: {  	_ = 	snop  }
0x90: {  	s2 =	sld [smem:$0x3FD0];
	(tm) =	ssettm $0x1  }
0x91: {  	s18 =	sld [smem:$0x3FFB];
	_ =	sdelay $0x3  }
0x92: {  	_ =	strace s18  }
0x93: {  	s3 =	sld [smem:$0x3FFC];
	_ =	sdelay $0x3  }
0x94: {  	_ =	strace s3  }
0x95: {  	s3 =	sld [smem:$0x3FFD];
	_ =	sdelay $0x3  }
0x96: {  	_ =	strace s3  }
0x97: {  	_ =	strace $0x8FFFFFFF  }
0x98: {  	s19 =	sld [smem:$0x3FDB];
	_ =	sdelay $0x1  }
0x99: {  	s4 =	simm.s32 $_scs_section_size  }
0x9a: {  	s5 =	simm.s32 $_size__tile_overlayer_lowered;
	s6 =	simm.s32 $_tile_overlayer_lowered  }
0x9b: {  	s22 =	simm.s32 $0x1BFF;
	s21 =	sshll.u32 s6, $0x1;
	s3 =	sadd.s32 s4, s19  }
0x9c: {  	s7 =	simm.s32 $0x0;
	s20 =	sshll.u32 s5, $0x1;
	s5 =	sadd.s32 s21, s3  }
0x9d: {  	[timem:s7], [sflag:s22] =	dma.local [hbm:s5], s20  }
0x9e: {  	_ =	swait.ge [sflag:s22], s20  }
0x9f: {  	s4 =	ssub.s32 $0x0, s20;
	[sflag:s22] =	ssyncset.done $0x0  }
0xa0: {  	[sflag:s22] =	ssyncadd.s32 s4;
	_ =	sdelay $0x1  }
0xa1: {  	s23 =	simm.s32 $0x1B8B  }
0xa2: {  	_ =	swait.ge [sflag:s23], $0x1  }
0xa3: {  	[sflag:s23] =	ssyncset.done $0x0  }
0xa4: {  	s25 =	simm.s32 $0x1B8E;
	s24 =	sld [smem:$0x3FFE];
	[sflag:s23] =	ssyncadd.s32 $0xFFFFFFFF  }
0xa5: {  	s26 =	simm.s32 $execute0_lowered;
	[smem:$0x3FD2] =	sst s25  }
0xa6: {  	s5 =	sshll.u32 s26, $0x1;
	_ =	strace $0x8000004F;
	[dreg:$0x1] =	wrdreg $0xFFFFFFFF  }
0xa7: {  	s28 =	simm.s32 $_size_execute0_lowered;
	s3 =	sadd.s32 s3, s5;
	[dreg:$0x0] =	wrdreg $0x0  }
0xa8: {  	s5 =	sshll.u32 s28, $0x1;
	[dreg:$0x2] =	wrdreg s3  }
0xa9: {  	[dreg:$0x3] =	wrdreg s5  }
0xaa: {  	[dreg:$0x4] =	wrdreg $0xC0  }
0xab: {  	_ =	task [dreg:s7], $0x5FFFF  }
0xac: {  	[dreg:$0x1] =	wrdreg $0xFFFFFFFF  }
0xad: {  	[dreg:$0x0] =	wrdreg $0x60  }
0xae: {  	[dreg:$0x2] =	wrdreg s24  }
0xaf: {  	[dreg:$0x3] =	wrdreg s2  }
0xb0: {  	[dreg:$0x4] =	wrdreg $0x90800  }
0xb1: {  	[dreg:$0x5] =	wrdreg $0x9  }
0xb2: {  	_ =	task.clear_ibuf [dreg:s7], $0x6FFFF;
	_ =	strace $0x9000004F  }
0xb3: {  	s29 =	simm.s32 $0x9;
	_ =	strace $0x80000051  }
0xb4: {  	_ =	swait.ge [sflag:s29], $0x1  }
0xb5: {  	[sflag:s29] =	ssyncadd.s32 $0xFFFFFFFF  }
0xb6: {  	_ =	strace $0x90000051  }
0xb7: {  	_ =	sfence  }
0xb8: {  	s30 =	sld [smem:$0x0];
	_ =	sdelay $0x2  }
0xb9: {  	s31 =	sshll.u32 s1, $0xD;
	s1 =	sshrl.u32 s1, $0x2  }
0xba: {  	s3 =	sand.u32 $0x4000, s31;
	s1 =	sadd.s32 s1, s30  }
0xbb: {  	s0 =	sor.u32 s3, s0;
	s1 =	sshll.u32 s1, $0x11  }
0xbc: {  	s0 =	sor.u32 s1, s0  }
0xbd: {  	s0 =	sadd.s32 $0x8F2B, s0  }
0xbe: {  	[sflag:s0] =	ssyncadd.remote.s32 $0x1  }
0xbf: {  	_ =	sfence.sel $0xFFFF  }
0xc0: {  	[dreg:$0x0] =	wrdreg $0xFFFFFFFF;
	(pc) =	sbr.abs _section_cstart, $3  }
0xc1: {  	[dreg:$0x1] =	wrdreg $0xFFFFFFFF  }
0xc2: {  	_ =	task.clear_ibuf [dreg:s7], $0x2FFFF;
	_ =	strace $0x9FFFFFFF  }
0xc3: {  	(tm) =	ssettm $0x7FFFFFFF  }
tec
execute0_lowered:
.L_overlay_start_1:
0x0: {  	(tag) =	ssettag $0x1  }
0x1: {  	s5 =	rddreg [dreg:$0x0]  }
0x2: {  	s0 =	srdreg.scid;
	s6 =	rddreg [dreg:$0x1]  }
0x3: {  	s1 =	rddreg [dreg:$0x2];
	s9 =	stileid.u32;
	s2 =	simm.s32 $0x0  }
0x4: {  	s13 =	simm.s32 $0x5000;
	s3 =	sand.u32 $0x1, s0;
	s0 =	rddreg [dreg:$0x3]  }
0x5: {  	s14 =	simm.s32 $0x9000;
	s15 =	simm.s32 $0x0;
	[smem:$0x7FF] =	sst s2  }
0x6: {  	p0 =	sne.s32 s9, $0x0;
	s4 =	sshll.u32 s3, $0x4;
	_ =	strace $0x80000050  }
0x7: {  	s8 =	smul.u32 $0x28000, s3;
	s10 =	ssub.s32 $0x2, s3;
	s4 =	sor.u32 s9, s4  }
0x8: {  	s3 =	sadd.s32 $0x53C00, s5;
	s12 =	sshrl.u32 s10, $0x1;
	s7 =	smul.u32 $0x500, s4  }
0x9: {  	s9 =	simm.s32 $0x1;
	s4 =	sadd.s32 $0x3C00, s5;
	s8 =	sadd.s32 s8, s5  }
0xa: {  	s10 =	ssub.s32 s10, s12;
	s12 =	simm.s32 $0x80;
	s11 =	sadd.s32 s7, s5  }
0xb: {  	s6 =	sadd.s32 s6, s7;
	s7 =	sadd.s32 $0xFE400, s8;
	s8 =	smax.u32 s10, $0x1  }
0xc: {  	s10 =	simm.s32 $0x2800;
	s5 =	sadd.s32 $0x7C400, s11;
	s11 =	sshrl.u32 @!p0 s1, $0x3  }
.LBB2_1:
0xd: {  	[tilespmem:s2], [sflag:$0x1] =	stream.linear.gather [hbm4b:s5+s2], $0x2800, $0x38;
	[tilespmem:$0x1D080] =	vst v63  }
0xe: {  	_ =	swait.ge [sflag:s9], $0x2800  }
0xf: {  	[sflag:s9] =	ssyncset.done $0x0  }
0x10: {  	[sflag:s9] =	ssyncadd.s32 $0xFFFFD800  }
0x11: {  	[tilespmem:s10], [sflag:$0x1] =	stream.linear.gather [hbm4b:s6+s2], $0x2800, $0x38;
	[tilespmem:$0x1D080] =	vst v63  }
0x12: {  	_ =	swait.ge [sflag:s9], $0x2800  }
0x13: {  	[sflag:s9] =	ssyncset.done $0x0  }
0x14: {  	s16 =	simm.s32 @!p0 $0x1C01;
	[sflag:s9] =	ssyncadd.s32 $0xFFFFD800  }
0x15: {  	[spmem:s11], [sflag:s16] =	dma.local @!p0 [hbm:s4], $0x28000  }
0x16: {  	s16 =	simm.s32 @!p0 $0x1  }
0x17: {  	_ =	swait.ge @!p0 [sflag:s16], $0x28000  }
0x18: {  	[sflag:s16] =	ssyncset.done @!p0 $0x0  }
0x19: {  	[sflag:s16] =	ssyncadd.s32 @!p0 $0xFFFD8000  }
0x1a: {  	s31 =	simm.s32 $0x0;
	[bflag:$0x0] =	sbarrier.arrive $0xFFFF  }
0x1b: {  	[tilespmem:s13], [sflag:$0x1] =	stream.indirect.gather [hbm4b:s3+s12], $0x80, s31, s12, $0xb8;
	[tilespmem:$0x1D080] =	vst v63  }
0x1c: {  	_ =	swait.ge [sflag:s9], $0x4000  }
0x1d: {  	[sflag:s9] =	ssyncset.done $0x0  }
0x1e: {  	[sflag:s9] =	ssyncadd.s32 $0xFFFFC000  }
0x1f: {  	v0 =	vld [tilespmem:s31+$0x2800];
	_ =	sdelay $0x4  }
0x20: {  	[tilespmem:$0x9000] =	vst v0  }
0x21: {  	v0 =	vld [tilespmem:s31+$0x2810];
	_ =	sdelay $0x4  }
0x22: {  	[tilespmem:$0x9010] =	vst v0  }
0x23: {  	v0 =	vld [tilespmem:s31+$0x2820];
	_ =	sdelay $0x4  }
0x24: {  	[tilespmem:$0x9020] =	vst v0  }
0x25: {  	v0 =	vld [tilespmem:s31+$0x2830];
	_ =	sdelay $0x4  }
0x26: {  	[tilespmem:$0x9030] =	vst v0  }
0x27: {  	v0 =	vld [tilespmem:s31+$0x2840];
	_ =	sdelay $0x4  }
0x28: {  	[tilespmem:$0x9040] =	vst v0  }
0x29: {  	v0 =	vld [tilespmem:s31+$0x2850];
	_ =	sdelay $0x4  }
0x2a: {  	[tilespmem:$0x9050] =	vst v0  }
0x2b: {  	v0 =	vld [tilespmem:s31+$0x2860];
	_ =	sdelay $0x4  }
0x2c: {  	[tilespmem:$0x9060] =	vst v0  }
0x2d: {  	v0 =	vld [tilespmem:s31+$0x2870];
	_ =	sdelay $0x4  }
0x2e: {  	[tilespmem:$0x9070] =	vst v0  }
0x2f: {  	[spmem:s1] =	stream.indirect.scatter.add.f32 [tilespmem:s13], [sflag:$0x1], $0x80, s14, s12, $0xb8;
	[tilespmem:$0x1D080] =	vst v63  }
0x30: {  	_ =	swait.ge [sflag:s9], $0x4000  }
0x31: {  	s19 =	simm.s32 $0x400;
	s16 =	simm.s32 $0x200;
	[sflag:s9] =	ssyncset.done $0x0  }
.LBB2_2:
0x32: {  	s18 =	sshra.s32 s16, $0x2  }
0x33: {  	[sflag:s9] =	ssyncadd.s32 $0xFFFFC000;
	s16 =	smov.u32 s19;
	s17 =	sadd.s32 $0x200, s19  }
0x34: {  	[tilespmem:s13], [sflag:$0x1] =	stream.indirect.gather [hbm4b:s3+s12], $0x80, s18, s12, $0xb8;
	[tilespmem:$0x1D080] =	vst v63  }
0x35: {  	p1 =	sne.s32 s19, $0x9E00;
	_ =	swait.ge [sflag:s9], $0x4000  }
0x36: {  	[sflag:s9] =	ssyncset.done $0x0  }
0x37: {  	[sflag:s9] =	ssyncadd.s32 $0xFFFFC000  }
0x38: {  	v0 =	vld [tilespmem:s18+$0x2800];
	_ =	sdelay $0x4  }
0x39: {  	[tilespmem:$0x9000] =	vst v0  }
0x3a: {  	v0 =	vld [tilespmem:s18+$0x2810];
	_ =	sdelay $0x4  }
0x3b: {  	[tilespmem:$0x9010] =	vst v0  }
0x3c: {  	v0 =	vld [tilespmem:s18+$0x2820];
	_ =	sdelay $0x4  }
0x3d: {  	[tilespmem:$0x9020] =	vst v0  }
0x3e: {  	v0 =	vld [tilespmem:s18+$0x2830];
	_ =	sdelay $0x4  }
0x3f: {  	[tilespmem:$0x9030] =	vst v0  }
0x40: {  	v0 =	vld [tilespmem:s18+$0x2840];
	_ =	sdelay $0x4  }
0x41: {  	[tilespmem:$0x9040] =	vst v0  }
0x42: {  	v0 =	vld [tilespmem:s18+$0x2850];
	_ =	sdelay $0x4  }
0x43: {  	[tilespmem:$0x9050] =	vst v0  }
0x44: {  	v0 =	vld [tilespmem:s18+$0x2860];
	_ =	sdelay $0x4  }
0x45: {  	[tilespmem:$0x9060] =	vst v0  }
0x46: {  	v0 =	vld [tilespmem:s18+$0x2870];
	_ =	sdelay $0x3  }
.Ltmp0:
0x47: {  	(pc) =	sbr.rel @p1 .LBB2_2-.Ltmp0, $4  }
0x48: {  	[tilespmem:$0x9070] =	vst v0  }
0x49: {  	[spmem:s1] =	stream.indirect.scatter.add.f32 [tilespmem:s13], [sflag:$0x1], $0x80, s14, s12, $0xb8;
	[tilespmem:$0x1D080] =	vst v63  }
0x4a: {  	_ =	swait.ge [sflag:s9], $0x4000  }
0x4b: {  	s19 =	smov.u32 s17;
	[sflag:s9] =	ssyncset.done $0x0  }
0x4c: {  	s16 =	sshra.s32 s16, $0x2;
	[sflag:s9] =	ssyncadd.s32 $0xFFFFC000  }
0x4d: {  	[tilespmem:s13], [sflag:$0x1] =	stream.indirect.gather [hbm4b:s3+s12], $0x80, s16, s12, $0xb8;
	[tilespmem:$0x1D080] =	vst v63  }
0x4e: {  	_ =	swait.ge [sflag:s9], $0x4000  }
0x4f: {  	[sflag:s9] =	ssyncset.done $0x0  }
0x50: {  	[sflag:s9] =	ssyncadd.s32 $0xFFFFC000  }
0x51: {  	v0 =	vld [tilespmem:s16+$0x2800];
	_ =	sdelay $0x4  }
0x52: {  	[tilespmem:$0x9000] =	vst v0  }
0x53: {  	v0 =	vld [tilespmem:s16+$0x2810];
	_ =	sdelay $0x4  }
0x54: {  	[tilespmem:$0x9010] =	vst v0  }
0x55: {  	v0 =	vld [tilespmem:s16+$0x2820];
	_ =	sdelay $0x4  }
0x56: {  	[tilespmem:$0x9020] =	vst v0  }
0x57: {  	v0 =	vld [tilespmem:s16+$0x2830];
	_ =	sdelay $0x4  }
0x58: {  	[tilespmem:$0x9030] =	vst v0  }
0x59: {  	v0 =	vld [tilespmem:s16+$0x2840];
	_ =	sdelay $0x4  }
0x5a: {  	[tilespmem:$0x9040] =	vst v0  }
0x5b: {  	v0 =	vld [tilespmem:s16+$0x2850];
	_ =	sdelay $0x4  }
0x5c: {  	[tilespmem:$0x9050] =	vst v0  }
0x5d: {  	v0 =	vld [tilespmem:s16+$0x2860];
	_ =	sdelay $0x4  }
0x5e: {  	[tilespmem:$0x9060] =	vst v0  }
0x5f: {  	v0 =	vld [tilespmem:s16+$0x2870];
	_ =	sdelay $0x4  }
0x60: {  	[tilespmem:$0x9070] =	vst v0  }
0x61: {  	[spmem:s1] =	stream.indirect.scatter.add.f32 [tilespmem:s13], [sflag:$0x1], $0x80, s14, s12, $0xb8;
	[tilespmem:$0x1D080] =	vst v63  }
0x62: {  	_ =	swait.ge [sflag:s9], $0x4000  }
0x63: {  	[sflag:s9] =	ssyncset.done $0x0  }
0x64: {  	s15 =	sadd.s32 $0x1, s15;
	[sflag:s9] =	ssyncadd.s32 $0xFFFFC000  }
0x65: {  	p1 =	sne.s32 s15, s8;
	s16 =	simm.s32 @!p0 $0x1C01;
	[bflag:$0x0] =	sbarrier.arrive $0xFFFF  }
0x66: {  	[hbm:s7], [sflag:s16] =	dma.local @!p0 [spmem:s11], $0x28000  }
.Ltmp1:
0x67: {  	_ = 	snop;
	(pc) =	sbr.rel @p1 .LBB2_1-.Ltmp1, $4  }
0x68: {  	s16 =	simm.s32 @!p0 $0x1  }
0x69: {  	_ =	swait.ge @!p0 [sflag:s16], $0x28000  }
0x6a: {  	[sflag:s16] =	ssyncset.done @!p0 $0x0  }
0x6b: {  	[sflag:s16] =	ssyncadd.s32 @!p0 $0xFFFD8000  }
0x6c: {  	_ =	sfence.sel $0x180000  }
0x6d: {  	[bflag:$0x0] =	sbarrier.arrive $0xFFFF  }
0x6e: {  	_ =	strace $0x90000050  }
0x6f: {  	s0 =	sadd.s32 @!p0 $0x100000, s0;
	[bflag:$0x2] =	sbarrier.arrive $0xFFFF  }
0x70: {  	[sflag:s0] =	ssyncadd.tile.s32 @!p0 $0x1;
	_ =	shalt  }
.Lfunc_end2:
_tile_overlayer_lowered:
.L_overlay_start_2:
0x71: {  	(tag) =	ssettag $0x2  }
0x72: {  	s0 =	rddreg [dreg:$0x0];
	s2 =	stileid.u32  }
0x73: {  	s1 =	rddreg [dreg:$0x1];
	p0 =	sne.s32 s2, $0x0  }
0x74: {  	s3 =	rddreg [dreg:$0x2];
	[bflag:$0x3] =	sbarrier.arrive $0xFFFF;
	s2 =	simm.s32 @!p0 $0x1C01  }
0x75: {  	[timem:s3], [sflag:s2] =	dma.local @!p0 [hbm:s0], s1  }
0x76: {  	s0 =	simm.s32 @!p0 $0x1  }
0x77: {  	_ =	swait.ge @!p0 [sflag:s0], s1  }
0x78: {  	s1 =	ssub.s32 @!p0 $0x0, s1;
	[sflag:s0] =	ssyncset.done @!p0 $0x0  }
0x79: {  	[sflag:s0] =	ssyncadd.s32 @!p0 s1  }
0x7a: {  	[bflag:$0x3] =	sbarrier.arrive $0xFFFF  }
0x7b: {  	_ =	shalt  }

// kernel: kernel.23.cloned.1.call-start
scs
__scs_entry_jumppad:
0x0: {  	(pc) =	sbr.rel $0x88, $3  }
0x1: {  	(tag) =	ssettag $0x0;
	lr =	simm.s32 $0x1  }
0x2: {  	[smem:$0x3F99] =	sst lr;
	_ =	strace $0xD0000000  }
0x3: {  	_ = 	snop  }
0x4: {  	_ = 	snop  }
0x5: {  	_ = 	snop  }
0x6: {  	_ = 	snop  }
0x7: {  	_ = 	snop  }
__scs_overlays_trampoline_lowered:
0x8: {  	[smem:$0x3FA8] =	sst s0  }
0x9: {  	[smem:$0x3FA9] =	sst s1  }
0xa: {  	[smem:$0x3FAA] =	sst s2  }
0xb: {  	[smem:$0x3FAB] =	sst s3  }
0xc: {  	[smem:$0x3FAC] =	sst s4  }
0xd: {  	[smem:$0x3FAD] =	sst s5  }
0xe: {  	[smem:$0x3FAE] =	sst s6  }
0xf: {  	[smem:$0x3FAF] =	sst s7  }
0x10: {  	[smem:$0x3FB0] =	sst s8  }
0x11: {  	[smem:$0x3FB1] =	sst s9;
	s0 =	simm.s32 @!p0 $0x0  }
0x12: {  	s1 =	sld [smem:$0x3F97];
	s0 =	simm.s32 @p0 $0x1  }
0x13: {  	[smem:$0x3FB2] =	sst s0;
	s0 =	simm.s32 @!p1 $0x0  }
0x14: {  	s2 =	sld [smem:$0x3F96];
	s0 =	simm.s32 @p1 $0x1  }
0x15: {  	[smem:$0x3FB3] =	sst s0;
	s0 =	simm.s32 @!p2 $0x0  }
0x16: {  	s3 =	sld [smem:$0x3FDB];
	s0 =	simm.s32 @p2 $0x1  }
0x17: {  	s4 =	simm.s32 $0x1BF5;
	[smem:$0x3FB5] =	sst s0  }
0x18: {  	s0 =	sld [smem:$0x3F98];
	_ =	swait.ge [sflag:s4], $0x0  }
0x19: {  	s7 =	sld [smem:$0x3F99]  }
0x1a: {  	s8 =	sadd.s32 $0xFFFFE003, lr  }
0x1b: {  	s9 =	sadd.s32 $0xFFFFFEF7, lr;
	s5 =	simm.s32 $0xFFFFFFFF;
	p2 =	slt.u32 s8, $0xFFFFF086  }
0x1c: {  	p1 =	slt.u32 s9, $0xF7A;
	s5 =	simm.s32 @!p2 $0x0  }
0x1d: {  	s5 =	simm.s32 @p1 $0x1;
	p0 =	seq.s32 s7, s2  }
0x1e: {  	s7 =	smul.u32 @!p0 $0xF7A, s2;
	p2 =	seq.s32 @!p0 s5, $0x0  }
0x1f: {  	s9 =	smul.u32 $0xF7A, s1;
	s8 =	simm.s32 @!p0 $0x1BF5;
	p2 =	por !p2, p0  }
0x20: {  	[sflag:s8] =	ssyncset.s32 @!p0 $0xFFFFF086;
	s6 =	sadd.s32 @!p0 s3, s7;
	s7 =	simm.s32 @!p0 $0x108  }
0x21: {  	s3 =	sadd.s32 s3, s9;
	s6 =	sadd.s32 @!p0 $0x88, s6;
	s7 =	simm.s32 @p2 $0x1082  }
0x22: {  	[simem:s7], [sflag:s8] =	dma.local @!p0 [hbm:s6], $0xF7A  }
0x23: {  	s9 =	sor.u32 $0xD0000000, s2;
	s6 =	simm.s32 $0x108;
	_ =	swait.ge @!p0 [sflag:s8], $0x0  }
0x24: {  	s3 =	sadd.s32 $0x88, s3;
	s6 =	simm.s32 @!p1 $0x1082;
	[sflag:s4] =	ssyncset.s32 $0xFFFFF086  }
0x25: {  	[simem:s6], [sflag:s4] =	dma.local [hbm:s3], $0xF7A  }
0x26: {  	[smem:$0x3F99] =	sst s1;
	(tag) =	ssettag s2;
	_ =	strace s9  }
0x27: {  	s1 =	sld [smem:$0x3FA9]  }
0x28: {  	s2 =	sld [smem:$0x3FAA]  }
0x29: {  	s4 =	sld [smem:$0x3FAC]  }
0x2a: {  	p0 =	seq.s32 s5, $0x0;
	s5 =	sld [smem:$0x3FAD]  }
0x2b: {  	s6 =	sld [smem:$0x3FAE]  }
0x2c: {  	s7 =	sld [smem:$0x3FAF]  }
0x2d: {  	s3 =	simm.s32 $0x108;
	s8 =	sld [smem:$0x3FB0]  }
0x2e: {  	s3 =	simm.s32 @!p0 $0x1082;
	s9 =	sld [smem:$0x3FB1]  }
0x2f: {  	lr =	sadd.s32 s0, s3;
	s0 =	sld [smem:$0x3FA8]  }
0x30: {  	s3 =	sld [smem:$0x3FAB]  }
0x31: {  	[smem:$0x3FB4] =	sst s10  }
0x32: {  	s10 =	sld [smem:$0x3FB2];
	_ =	sdelay $0x3  }
0x33: {  	p0 =	seq.s32 s10, $0x1;
	s10 =	sld [smem:$0x3FB4];
	_ =	sdelay $0x3  }
0x34: {  	[smem:$0x3FB4] =	sst s10  }
0x35: {  	s10 =	sld [smem:$0x3FB3];
	_ =	sdelay $0x3  }
0x36: {  	p1 =	seq.s32 s10, $0x1;
	s10 =	sld [smem:$0x3FB4];
	_ =	sdelay $0x3  }
0x37: {  	[smem:$0x3FB4] =	sst s10  }
0x38: {  	s10 =	sld [smem:$0x3FB5]  }
0x39: {  	_ = 	snop;
	(pc) =	sbr.ind lr, $3  }
0x3a: {  	_ = 	snop  }
0x3b: {  	_ = 	snop  }
0x3c: {  	p2 =	seq.s32 s10, $0x1;
	s10 =	sld [smem:$0x3FB4]  }
0x3d: {  	_ =	shalt  }
0x3e: {  	_ =	shalt  }
0x3f: {  	_ =	shalt  }
0x40: {  	_ =	shalt  }
0x41: {  	_ =	shalt  }
0x42: {  	_ =	shalt  }
0x43: {  	_ =	shalt  }
0x44: {  	_ =	shalt  }
0x45: {  	_ =	shalt  }
0x46: {  	_ =	shalt  }
0x47: {  	_ =	shalt  }
0x48: {  	_ =	shalt  }
0x49: {  	_ =	shalt  }
0x4a: {  	_ =	shalt  }
0x4b: {  	_ =	shalt  }
0x4c: {  	_ =	shalt  }
0x4d: {  	_ =	shalt  }
0x4e: {  	_ =	shalt  }
0x4f: {  	_ =	shalt  }
0x50: {  	_ =	shalt  }
0x51: {  	_ =	shalt  }
0x52: {  	_ =	shalt  }
0x53: {  	_ =	shalt  }
0x54: {  	_ =	shalt  }
0x55: {  	_ =	shalt  }
0x56: {  	_ =	shalt  }
0x57: {  	_ =	shalt  }
0x58: {  	_ =	shalt  }
0x59: {  	_ =	shalt  }
0x5a: {  	_ =	shalt  }
0x5b: {  	_ =	shalt  }
0x5c: {  	_ =	shalt  }
0x5d: {  	_ =	shalt  }
0x5e: {  	_ =	shalt  }
0x5f: {  	_ =	shalt  }
0x60: {  	_ =	shalt  }
0x61: {  	_ =	shalt  }
0x62: {  	_ =	shalt  }
0x63: {  	_ =	shalt  }
0x64: {  	_ =	shalt  }
0x65: {  	_ =	shalt  }
0x66: {  	_ =	shalt  }
0x67: {  	_ =	shalt  }
0x68: {  	_ =	shalt  }
0x69: {  	_ =	shalt  }
0x6a: {  	_ =	shalt  }
0x6b: {  	_ =	shalt  }
0x6c: {  	_ =	shalt  }
0x6d: {  	_ =	shalt  }
0x6e: {  	_ =	shalt  }
0x6f: {  	_ =	shalt  }
0x70: {  	_ =	shalt  }
0x71: {  	_ =	shalt  }
0x72: {  	_ =	shalt  }
0x73: {  	_ =	shalt  }
0x74: {  	_ =	shalt  }
0x75: {  	_ =	shalt  }
0x76: {  	_ =	shalt  }
0x77: {  	_ =	shalt  }
0x78: {  	_ =	shalt  }
0x79: {  	_ =	shalt  }
0x7a: {  	_ =	shalt  }
0x7b: {  	_ =	shalt  }
0x7c: {  	_ =	shalt  }
0x7d: {  	_ =	shalt  }
0x7e: {  	_ =	shalt  }
0x7f: {  	_ =	shalt  }
0x80: {  	_ =	shalt  }
0x81: {  	_ =	shalt  }
0x82: {  	_ =	shalt  }
0x83: {  	_ =	shalt  }
0x84: {  	_ =	shalt  }
0x85: {  	_ =	shalt  }
0x86: {  	_ =	shalt  }
0x87: {  	_ =	shalt  }
.Lfunc_end0:
.L_simem_size_0:
called_computation.4_lowered:
.L_overlay_start_0:
0x88: {  	s2 =	sld [smem:$0x3FD9]  }
0x89: {  	s3 =	sld [smem:$0x3FFE];
	_ =	sdelay $0x1  }
0x8a: {  	s1 =	srdreg.scid  }
0x8b: {  	s0 =	sand.u32 $0x1, s1  }
0x8c: {  	s17 =	sshll.u32 s0, $0xA;
	s2 =	sadd.s32 s3, s2  }
0x8d: {  	s2 =	sadd.s32 s2, s17  }
0x8e: {  	[smem:$0x3FC0] =	sst s2  }
0x8f: {  	_ = 	snop  }
0x90: {  	s2 =	sld [smem:$0x3FD0];
	(tm) =	ssettm $0x1  }
0x91: {  	s18 =	sld [smem:$0x3FFB];
	_ =	sdelay $0x3  }
0x92: {  	_ =	strace s18  }
0x93: {  	s3 =	sld [smem:$0x3FFC];
	_ =	sdelay $0x3  }
0x94: {  	_ =	strace s3  }
0x95: {  	s3 =	sld [smem:$0x3FFD];
	_ =	sdelay $0x3  }
0x96: {  	_ =	strace s3  }
0x97: {  	_ =	strace $0x8FFFFFFF  }
0x98: {  	s19 =	sld [smem:$0x3FDB];
	_ =	sdelay $0x1  }
0x99: {  	s4 =	simm.s32 $_scs_section_size  }
0x9a: {  	s5 =	simm.s32 $_size__tile_overlayer_lowered;
	s6 =	simm.s32 $_tile_overlayer_lowered  }
0x9b: {  	s22 =	simm.s32 $0x1BFF;
	s21 =	sshll.u32 s6, $0x1;
	s3 =	sadd.s32 s4, s19  }
0x9c: {  	s7 =	simm.s32 $0x0;
	s20 =	sshll.u32 s5, $0x1;
	s5 =	sadd.s32 s21, s3  }
0x9d: {  	[timem:s7], [sflag:s22] =	dma.local [hbm:s5], s20  }
0x9e: {  	_ =	swait.ge [sflag:s22], s20  }
0x9f: {  	s4 =	ssub.s32 $0x0, s20;
	[sflag:s22] =	ssyncset.done $0x0  }
0xa0: {  	[sflag:s22] =	ssyncadd.s32 s4;
	_ =	sdelay $0x1  }
0xa1: {  	s23 =	simm.s32 $0x1B8B  }
0xa2: {  	_ =	swait.ge [sflag:s23], $0x1  }
0xa3: {  	[sflag:s23] =	ssyncset.done $0x0  }
0xa4: {  	s25 =	simm.s32 $0x1B8E;
	s24 =	sld [smem:$0x3FFE];
	[sflag:s23] =	ssyncadd.s32 $0xFFFFFFFF  }
0xa5: {  	s26 =	simm.s32 $execute0_lowered;
	[smem:$0x3FD2] =	sst s25  }
0xa6: {  	s5 =	sshll.u32 s26, $0x1;
	_ =	strace $0x80000052;
	[dreg:$0x1] =	wrdreg $0xFFFFFFFF  }
0xa7: {  	s28 =	simm.s32 $_size_execute0_lowered;
	s3 =	sadd.s32 s3, s5;
	[dreg:$0x0] =	wrdreg $0x0  }
0xa8: {  	s5 =	sshll.u32 s28, $0x1;
	[dreg:$0x2] =	wrdreg s3  }
0xa9: {  	[dreg:$0x3] =	wrdreg s5  }
0xaa: {  	[dreg:$0x4] =	wrdreg $0xC0  }
0xab: {  	_ =	task [dreg:s7], $0x5FFFF  }
0xac: {  	[dreg:$0x1] =	wrdreg $0xFFFFFFFF  }
0xad: {  	[dreg:$0x0] =	wrdreg $0x60  }
0xae: {  	[dreg:$0x2] =	wrdreg s24  }
0xaf: {  	[dreg:$0x3] =	wrdreg s2  }
0xb0: {  	[dreg:$0x4] =	wrdreg $0x90800  }
0xb1: {  	[dreg:$0x5] =	wrdreg $0x9  }
0xb2: {  	_ =	task.clear_ibuf [dreg:s7], $0x6FFFF;
	_ =	strace $0x90000052  }
0xb3: {  	s29 =	simm.s32 $0x9;
	_ =	strace $0x80000054  }
0xb4: {  	_ =	swait.ge [sflag:s29], $0x1  }
0xb5: {  	[sflag:s29] =	ssyncadd.s32 $0xFFFFFFFF  }
0xb6: {  	_ =	strace $0x90000054  }
0xb7: {  	_ =	sfence  }
0xb8: {  	s30 =	sld [smem:$0x0];
	_ =	sdelay $0x2  }
0xb9: {  	s31 =	sshll.u32 s1, $0xD;
	s1 =	sshrl.u32 s1, $0x2  }
0xba: {  	s3 =	sand.u32 $0x4000, s31;
	s1 =	sadd.s32 s1, s30  }
0xbb: {  	s0 =	sor.u32 s3, s0;
	s1 =	sshll.u32 s1, $0x11  }
0xbc: {  	s0 =	sor.u32 s1, s0  }
0xbd: {  	s0 =	sadd.s32 $0x8F2B, s0  }
0xbe: {  	[sflag:s0] =	ssyncadd.remote.s32 $0x1  }
0xbf: {  	_ =	sfence.sel $0xFFFF  }
0xc0: {  	[dreg:$0x0] =	wrdreg $0xFFFFFFFF;
	(pc) =	sbr.abs _section_cstart, $3  }
0xc1: {  	[dreg:$0x1] =	wrdreg $0xFFFFFFFF  }
0xc2: {  	_ =	task.clear_ibuf [dreg:s7], $0x2FFFF;
	_ =	strace $0x9FFFFFFF  }
0xc3: {  	(tm) =	ssettm $0x7FFFFFFF  }
tec
execute0_lowered:
.L_overlay_start_1:
0x0: {  	(tag) =	ssettag $0x1  }
0x1: {  	s5 =	rddreg [dreg:$0x0]  }
0x2: {  	s0 =	srdreg.scid;
	s6 =	rddreg [dreg:$0x1]  }
0x3: {  	s1 =	rddreg [dreg:$0x2];
	s9 =	stileid.u32;
	s2 =	simm.s32 $0x0  }
0x4: {  	s13 =	simm.s32 $0x5000;
	s3 =	sand.u32 $0x1, s0;
	s0 =	rddreg [dreg:$0x3]  }
0x5: {  	s14 =	simm.s32 $0x9000;
	s15 =	simm.s32 $0x0;
	[smem:$0x7FF] =	sst s2  }
0x6: {  	p0 =	sne.s32 s9, $0x0;
	s4 =	sshll.u32 s3, $0x4;
	_ =	strace $0x80000053  }
0x7: {  	s8 =	smul.u32 $0x28000, s3;
	s10 =	ssub.s32 $0x2, s3;
	s4 =	sor.u32 s9, s4  }
0x8: {  	s3 =	sadd.s32 $0x86400, s5;
	s12 =	sshrl.u32 s10, $0x1;
	s7 =	smul.u32 $0x500, s4  }
0x9: {  	s9 =	simm.s32 $0x1;
	s4 =	sadd.s32 $0x3C00, s5;
	s8 =	sadd.s32 s8, s5  }
0xa: {  	s10 =	ssub.s32 s10, s12;
	s12 =	simm.s32 $0x80;
	s11 =	sadd.s32 s7, s5  }
0xb: {  	s6 =	sadd.s32 s6, s7;
	s7 =	sadd.s32 $0x2BC00, s8;
	s8 =	smax.u32 s10, $0x1  }
0xc: {  	s10 =	simm.s32 $0x2800;
	s5 =	sadd.s32 $0x7C400, s11;
	s11 =	sshrl.u32 @!p0 s1, $0x3  }
.LBB2_1:
0xd: {  	[tilespmem:s2], [sflag:$0x1] =	stream.linear.gather [hbm4b:s5+s2], $0x2800, $0x38;
	[tilespmem:$0x1D080] =	vst v63  }
0xe: {  	_ =	swait.ge [sflag:s9], $0x2800  }
0xf: {  	[sflag:s9] =	ssyncset.done $0x0  }
0x10: {  	[sflag:s9] =	ssyncadd.s32 $0xFFFFD800  }
0x11: {  	[tilespmem:s10], [sflag:$0x1] =	stream.linear.gather [hbm4b:s6+s2], $0x2800, $0x38;
	[tilespmem:$0x1D080] =	vst v63  }
0x12: {  	_ =	swait.ge [sflag:s9], $0x2800  }
0x13: {  	[sflag:s9] =	ssyncset.done $0x0  }
0x14: {  	s16 =	simm.s32 @!p0 $0x1C01;
	[sflag:s9] =	ssyncadd.s32 $0xFFFFD800  }
0x15: {  	[spmem:s11], [sflag:s16] =	dma.local @!p0 [hbm:s4], $0x28000  }
0x16: {  	s16 =	simm.s32 @!p0 $0x1  }
0x17: {  	_ =	swait.ge @!p0 [sflag:s16], $0x28000  }
0x18: {  	[sflag:s16] =	ssyncset.done @!p0 $0x0  }
0x19: {  	[sflag:s16] =	ssyncadd.s32 @!p0 $0xFFFD8000  }
0x1a: {  	s31 =	simm.s32 $0x0;
	[bflag:$0x0] =	sbarrier.arrive $0xFFFF  }
0x1b: {  	[tilespmem:s13], [sflag:$0x1] =	stream.indirect.gather [hbm4b:s3+s12], $0x80, s31, s12, $0xb8;
	[tilespmem:$0x1D080] =	vst v63  }
0x1c: {  	_ =	swait.ge [sflag:s9], $0x4000  }
0x1d: {  	[sflag:s9] =	ssyncset.done $0x0  }
0x1e: {  	[sflag:s9] =	ssyncadd.s32 $0xFFFFC000  }
0x1f: {  	v0 =	vld [tilespmem:s31+$0x2800];
	_ =	sdelay $0x4  }
0x20: {  	[tilespmem:$0x9000] =	vst v0  }
0x21: {  	v0 =	vld [tilespmem:s31+$0x2810];
	_ =	sdelay $0x4  }
0x22: {  	[tilespmem:$0x9010] =	vst v0  }
0x23: {  	v0 =	vld [tilespmem:s31+$0x2820];
	_ =	sdelay $0x4  }
0x24: {  	[tilespmem:$0x9020] =	vst v0  }
0x25: {  	v0 =	vld [tilespmem:s31+$0x2830];
	_ =	sdelay $0x4  }
0x26: {  	[tilespmem:$0x9030] =	vst v0  }
0x27: {  	v0 =	vld [tilespmem:s31+$0x2840];
	_ =	sdelay $0x4  }
0x28: {  	[tilespmem:$0x9040] =	vst v0  }
0x29: {  	v0 =	vld [tilespmem:s31+$0x2850];
	_ =	sdelay $0x4  }
0x2a: {  	[tilespmem:$0x9050] =	vst v0  }
0x2b: {  	v0 =	vld [tilespmem:s31+$0x2860];
	_ =	sdelay $0x4  }
0x2c: {  	[tilespmem:$0x9060] =	vst v0  }
0x2d: {  	v0 =	vld [tilespmem:s31+$0x2870];
	_ =	sdelay $0x4  }
0x2e: {  	[tilespmem:$0x9070] =	vst v0  }
0x2f: {  	[spmem:s1] =	stream.indirect.scatter.add.f32 [tilespmem:s13], [sflag:$0x1], $0x80, s14, s12, $0xb8;
	[tilespmem:$0x1D080] =	vst v63  }
0x30: {  	_ =	swait.ge [sflag:s9], $0x4000  }
0x31: {  	s19 =	simm.s32 $0x400;
	s16 =	simm.s32 $0x200;
	[sflag:s9] =	ssyncset.done $0x0  }
.LBB2_2:
0x32: {  	s18 =	sshra.s32 s16, $0x2  }
0x33: {  	[sflag:s9] =	ssyncadd.s32 $0xFFFFC000;
	s16 =	smov.u32 s19;
	s17 =	sadd.s32 $0x200, s19  }
0x34: {  	[tilespmem:s13], [sflag:$0x1] =	stream.indirect.gather [hbm4b:s3+s12], $0x80, s18, s12, $0xb8;
	[tilespmem:$0x1D080] =	vst v63  }
0x35: {  	p1 =	sne.s32 s19, $0x9E00;
	_ =	swait.ge [sflag:s9], $0x4000  }
0x36: {  	[sflag:s9] =	ssyncset.done $0x0  }
0x37: {  	[sflag:s9] =	ssyncadd.s32 $0xFFFFC000  }
0x38: {  	v0 =	vld [tilespmem:s18+$0x2800];
	_ =	sdelay $0x4  }
0x39: {  	[tilespmem:$0x9000] =	vst v0  }
0x3a: {  	v0 =	vld [tilespmem:s18+$0x2810];
	_ =	sdelay $0x4  }
0x3b: {  	[tilespmem:$0x9010] =	vst v0  }
0x3c: {  	v0 =	vld [tilespmem:s18+$0x2820];
	_ =	sdelay $0x4  }
0x3d: {  	[tilespmem:$0x9020] =	vst v0  }
0x3e: {  	v0 =	vld [tilespmem:s18+$0x2830];
	_ =	sdelay $0x4  }
0x3f: {  	[tilespmem:$0x9030] =	vst v0  }
0x40: {  	v0 =	vld [tilespmem:s18+$0x2840];
	_ =	sdelay $0x4  }
0x41: {  	[tilespmem:$0x9040] =	vst v0  }
0x42: {  	v0 =	vld [tilespmem:s18+$0x2850];
	_ =	sdelay $0x4  }
0x43: {  	[tilespmem:$0x9050] =	vst v0  }
0x44: {  	v0 =	vld [tilespmem:s18+$0x2860];
	_ =	sdelay $0x4  }
0x45: {  	[tilespmem:$0x9060] =	vst v0  }
0x46: {  	v0 =	vld [tilespmem:s18+$0x2870];
	_ =	sdelay $0x3  }
.Ltmp0:
0x47: {  	(pc) =	sbr.rel @p1 .LBB2_2-.Ltmp0, $4  }
0x48: {  	[tilespmem:$0x9070] =	vst v0  }
0x49: {  	[spmem:s1] =	stream.indirect.scatter.add.f32 [tilespmem:s13], [sflag:$0x1], $0x80, s14, s12, $0xb8;
	[tilespmem:$0x1D080] =	vst v63  }
0x4a: {  	_ =	swait.ge [sflag:s9], $0x4000  }
0x4b: {  	s19 =	smov.u32 s17;
	[sflag:s9] =	ssyncset.done $0x0  }
0x4c: {  	s16 =	sshra.s32 s16, $0x2;
	[sflag:s9] =	ssyncadd.s32 $0xFFFFC000  }
0x4d: {  	[tilespmem:s13], [sflag:$0x1] =	stream.indirect.gather [hbm4b:s3+s12], $0x80, s16, s12, $0xb8;
	[tilespmem:$0x1D080] =	vst v63  }
0x4e: {  	_ =	swait.ge [sflag:s9], $0x4000  }
0x4f: {  	[sflag:s9] =	ssyncset.done $0x0  }
0x50: {  	[sflag:s9] =	ssyncadd.s32 $0xFFFFC000  }
0x51: {  	v0 =	vld [tilespmem:s16+$0x2800];
	_ =	sdelay $0x4  }
0x52: {  	[tilespmem:$0x9000] =	vst v0  }
0x53: {  	v0 =	vld [tilespmem:s16+$0x2810];
	_ =	sdelay $0x4  }
0x54: {  	[tilespmem:$0x9010] =	vst v0  }
0x55: {  	v0 =	vld [tilespmem:s16+$0x2820];
	_ =	sdelay $0x4  }
0x56: {  	[tilespmem:$0x9020] =	vst v0  }
0x57: {  	v0 =	vld [tilespmem:s16+$0x2830];
	_ =	sdelay $0x4  }
0x58: {  	[tilespmem:$0x9030] =	vst v0  }
0x59: {  	v0 =	vld [tilespmem:s16+$0x2840];
	_ =	sdelay $0x4  }
0x5a: {  	[tilespmem:$0x9040] =	vst v0  }
0x5b: {  	v0 =	vld [tilespmem:s16+$0x2850];
	_ =	sdelay $0x4  }
0x5c: {  	[tilespmem:$0x9050] =	vst v0  }
0x5d: {  	v0 =	vld [tilespmem:s16+$0x2860];
	_ =	sdelay $0x4  }
0x5e: {  	[tilespmem:$0x9060] =	vst v0  }
0x5f: {  	v0 =	vld [tilespmem:s16+$0x2870];
	_ =	sdelay $0x4  }
0x60: {  	[tilespmem:$0x9070] =	vst v0  }
0x61: {  	[spmem:s1] =	stream.indirect.scatter.add.f32 [tilespmem:s13], [sflag:$0x1], $0x80, s14, s12, $0xb8;
	[tilespmem:$0x1D080] =	vst v63  }
0x62: {  	_ =	swait.ge [sflag:s9], $0x4000  }
0x63: {  	[sflag:s9] =	ssyncset.done $0x0  }
0x64: {  	s15 =	sadd.s32 $0x1, s15;
	[sflag:s9] =	ssyncadd.s32 $0xFFFFC000  }
0x65: {  	p1 =	sne.s32 s15, s8;
	s16 =	simm.s32 @!p0 $0x1C01;
	[bflag:$0x0] =	sbarrier.arrive $0xFFFF  }
0x66: {  	[hbm:s7], [sflag:s16] =	dma.local @!p0 [spmem:s11], $0x28000  }
.Ltmp1:
0x67: {  	_ = 	snop;
	(pc) =	sbr.rel @p1 .LBB2_1-.Ltmp1, $4  }
0x68: {  	s16 =	simm.s32 @!p0 $0x1  }
0x69: {  	_ =	swait.ge @!p0 [sflag:s16], $0x28000  }
0x6a: {  	[sflag:s16] =	ssyncset.done @!p0 $0x0  }
0x6b: {  	[sflag:s16] =	ssyncadd.s32 @!p0 $0xFFFD8000  }
0x6c: {  	_ =	sfence.sel $0x180000  }
0x6d: {  	[bflag:$0x0] =	sbarrier.arrive $0xFFFF  }
0x6e: {  	_ =	strace $0x90000053  }
0x6f: {  	s0 =	sadd.s32 @!p0 $0x100000, s0;
	[bflag:$0x2] =	sbarrier.arrive $0xFFFF  }
0x70: {  	[sflag:s0] =	ssyncadd.tile.s32 @!p0 $0x1;
	_ =	shalt  }
.Lfunc_end2:
_tile_overlayer_lowered:
.L_overlay_start_2:
0x71: {  	(tag) =	ssettag $0x2  }
0x72: {  	s0 =	rddreg [dreg:$0x0];
	s2 =	stileid.u32  }
0x73: {  	s1 =	rddreg [dreg:$0x1];
	p0 =	sne.s32 s2, $0x0  }
0x74: {  	s3 =	rddreg [dreg:$0x2];
	[bflag:$0x3] =	sbarrier.arrive $0xFFFF;
	s2 =	simm.s32 @!p0 $0x1C01  }
0x75: {  	[timem:s3], [sflag:s2] =	dma.local @!p0 [hbm:s0], s1  }
0x76: {  	s0 =	simm.s32 @!p0 $0x1  }
0x77: {  	_ =	swait.ge @!p0 [sflag:s0], s1  }
0x78: {  	s1 =	ssub.s32 @!p0 $0x0, s1;
	[sflag:s0] =	ssyncset.done @!p0 $0x0  }
0x79: {  	[sflag:s0] =	ssyncadd.s32 @!p0 s1  }
0x7a: {  	[bflag:$0x3] =	sbarrier.arrive $0xFFFF  }
0x7b: {  	_ =	shalt  }

</sc_bundles>
